<compile_context>
chip_gen: v7x
topology: tpu7x:2x2x1
jax: 0.10.2.dev20260603
libtpu: 0.0.44.dev20260713+nightly
codegen_flags: <defaults>
</compile_context>

<pallas_src>
import jax
import jax.numpy as jnp
from jax import lax
from jax.experimental import pallas as pl
from jax.experimental.pallas import tpu as pltpu
from jax.experimental.pallas import tpu_sc as plsc

N = 100000
E = 1600000
G = 128
FH = 16

NC, NS = 2, 16
CHUNK = 1024

A_TILE = E // (NC * NS)
A_FULL = A_TILE // CHUNK
A_REM = A_TILE - A_FULL * CHUNK
DEG_PAD = 100352
DEG_SLICE = DEG_PAD // NS

C_CHUNK = 1024
C_TILE = E // NS
C_FULL = C_TILE // C_CHUNK
C_REM = C_TILE - C_FULL * C_CHUNK
AGG_PAD = 100008
DUMMY = N
BIG = 6256
LAST = N - (NS - 1) * BIG
ZLAST = AGG_PAD - (NS - 1) * BIG

R_BLK = 2000
N_BLKS = N // R_BLK



def _deg_body(src1d, zeros_hbm, deg_out, deg_sp, idx_v, ones_v, sem):
    c = lax.axis_index("c")
    s = lax.axis_index("s")
    pltpu.sync_copy(zeros_hbm.at[pl.ds(s * DEG_SLICE, DEG_SLICE)],
                    deg_sp.at[pl.ds(s * DEG_SLICE, DEG_SLICE)])
    for i in range(CHUNK // 16):
        ones_v[pl.ds(i * 16, 16)] = jnp.ones((16,), jnp.float32)
    plsc.subcore_barrier()

    e0 = (c * NS + s) * A_TILE

    def chunk(k, carry):
        base = e0 + k * CHUNK
        pltpu.sync_copy(src1d.at[pl.ds(base, CHUNK)], idx_v)
        pltpu.sync_copy(ones_v, deg_sp.at[idx_v], add=True)
        return carry

    lax.fori_loop(0, A_FULL, chunk, 0)
    base = e0 + A_FULL * CHUNK
    pltpu.sync_copy(src1d.at[pl.ds(base, A_REM)], idx_v.at[pl.ds(0, A_REM)])
    for i in range(A_REM // 16, CHUNK // 16):
        idx_v[pl.ds(i * 16, 16)] = jnp.full((16,), N, jnp.int32)
    pltpu.sync_copy(ones_v, deg_sp.at[idx_v], add=True)
    plsc.subcore_barrier()
    pltpu.sync_copy(deg_sp.at[pl.ds(s * DEG_SLICE, DEG_SLICE)],
                    deg_out.at[c, pl.ds(s * DEG_SLICE, DEG_SLICE)])


def _make_deg_kernel():
    mesh = plsc.VectorSubcoreMesh(core_axis_name="c", subcore_axis_name="s")
    return pl.kernel(
        _deg_body,
        out_type=jax.ShapeDtypeStruct((NC, DEG_PAD), jnp.float32),
        mesh=mesh,
        scratch_types=[
            pltpu.VMEM_SHARED((DEG_PAD,), jnp.float32),
            pltpu.VMEM((CHUNK,), jnp.int32),
            pltpu.VMEM((CHUNK,), jnp.float32),
            pltpu.SemaphoreType.DMA,
        ],
        compiler_params=pltpu.CompilerParams(use_tc_tiling_on_sc=False),
    )



def _agg_body(fa, fb, src1d, dst1d, zeros_hbm, out_a, out_b,
              agg_sp, idx_s, idx_d, rows_v, gsem, ssem):
    c = lax.axis_index("c")
    s = lax.axis_index("s")

    @pl.when(s < NS - 1)
    def _():
        pltpu.sync_copy(zeros_hbm.at[pl.ds(s * BIG, BIG)],
                        agg_sp.at[pl.ds(s * BIG, BIG)])

    @pl.when(s == NS - 1)
    def _():
        pltpu.sync_copy(zeros_hbm.at[pl.ds((NS - 1) * BIG, ZLAST)],
                        agg_sp.at[pl.ds((NS - 1) * BIG, ZLAST)])

    plsc.subcore_barrier()

    e0 = s * C_TILE

    def do_chunk():
        @pl.when(c == 0)
        def _():
            pltpu.async_copy(fa.at[idx_s], rows_v, gsem).wait()

        @pl.when(c == 1)
        def _():
            pltpu.async_copy(fb.at[idx_s], rows_v, gsem).wait()

        pltpu.sync_copy(rows_v, agg_sp.at[idx_d], add=True)

    def chunk(k, carry):
        base = e0 + k * C_CHUNK
        pltpu.sync_copy(src1d.at[pl.ds(base, C_CHUNK)], idx_s)
        pltpu.sync_copy(dst1d.at[pl.ds(base, C_CHUNK)], idx_d)
        do_chunk()
        return carry

    lax.fori_loop(0, C_FULL, chunk, 0)
    base = e0 + C_FULL * C_CHUNK
    pltpu.sync_copy(src1d.at[pl.ds(base, C_REM)], idx_s.at[pl.ds(0, C_REM)])
    pltpu.sync_copy(dst1d.at[pl.ds(base, C_REM)], idx_d.at[pl.ds(0, C_REM)])
    for i in range(C_REM // 16, C_CHUNK // 16):
        idx_s[pl.ds(i * 16, 16)] = jnp.zeros((16,), jnp.int32)
        idx_d[pl.ds(i * 16, 16)] = jnp.full((16,), DUMMY, jnp.int32)
    do_chunk()
    plsc.subcore_barrier()

    def writeout(dst):
        @pl.when(s < NS - 1)
        def _():
            pltpu.sync_copy(agg_sp.at[pl.ds(s * BIG, BIG)],
                            dst.at[pl.ds(s * BIG, BIG)])

        @pl.when(s == NS - 1)
        def _():
            pltpu.sync_copy(agg_sp.at[pl.ds((NS - 1) * BIG, LAST)],
                            dst.at[pl.ds((NS - 1) * BIG, LAST)])

    @pl.when(c == 0)
    def _():
        writeout(out_a)

    @pl.when(c == 1)
    def _():
        writeout(out_b)


def _make_agg_kernel():
    mesh = plsc.VectorSubcoreMesh(core_axis_name="c", subcore_axis_name="s")
    return pl.kernel(
        _agg_body,
        out_type=(jax.ShapeDtypeStruct((N, FH), jnp.float32),
                  jax.ShapeDtypeStruct((N, FH), jnp.float32)),
        mesh=mesh,
        scratch_types=[
            pltpu.VMEM_SHARED((AGG_PAD, FH), jnp.float32),
            pltpu.VMEM((C_CHUNK,), jnp.int32),
            pltpu.VMEM((C_CHUNK,), jnp.int32),
            pltpu.VMEM((C_CHUNK, FH), jnp.float32),
            pltpu.SemaphoreType.DMA,
            pltpu.SemaphoreType.DMA,
        ],
        compiler_params=pltpu.CompilerParams(use_tc_tiling_on_sc=False),
    )



def _feat_body(feat_ref, dA_ref, dB_ref, outa_ref, outb_ref):
    d = dA_ref[...] + dB_ref[...]
    norm = jnp.where(d > 0.0, lax.rsqrt(jnp.maximum(d, 1.0)), 0.0)
    f = feat_ref[...] * norm
    zero = jnp.zeros((R_BLK, 1), jnp.float32)
    one = jnp.ones((R_BLK, 1), jnp.float32)
    outa_ref[...] = f[:, :FH]
    outb_ref[...] = jnp.concatenate([f[:, FH:], zero, one], axis=1)


def _feat_kernel(features, dA, dB):
    return pl.pallas_call(
        _feat_body,
        grid=(N_BLKS,),
        in_specs=[
            pl.BlockSpec((R_BLK, 30), lambda i: (i, 0)),
            pl.BlockSpec((R_BLK, 1), lambda i: (i, 0)),
            pl.BlockSpec((R_BLK, 1), lambda i: (i, 0)),
        ],
        out_specs=[pl.BlockSpec((R_BLK, FH), lambda i: (i, 0)),
                   pl.BlockSpec((R_BLK, FH), lambda i: (i, 0))],
        out_shape=[jax.ShapeDtypeStruct((N, FH), jnp.float32),
                   jax.ShapeDtypeStruct((N, FH), jnp.float32)],
    )(features, dA, dB)



D_BLK = 1000
D_BLKS = (N // 4) // D_BLK


def _head_body(a_ref, b_ref, gid_ref, ea_ref, eb_ref, sel_ref, w1_ref,
               b1_ref, w2_ref, b2_ref, w3_ref, b3_ref, out_ref, pool_ref):
    k = pl.program_id(0)

    @pl.when(k == 0)
    def _():
        pool_ref[...] = jnp.full((G, 128), -jnp.inf, jnp.float32)

    x = (jnp.dot(a_ref[...], ea_ref[...], preferred_element_type=jnp.float32)
         + jnp.dot(b_ref[...], eb_ref[...],
                   preferred_element_type=jnp.float32))
    din = jnp.dot(x, sel_ref[...], preferred_element_type=jnp.float32)
    norm = jnp.where(din > 0.0, lax.rsqrt(jnp.maximum(din, 1.0)), 0.0)
    hr = jnp.dot(x * norm, w1_ref[...], preferred_element_type=jnp.float32)
    ids = gid_ref[...]
    ids32 = ids.astype(jnp.int32)
    g_lo = jnp.min(ids32)
    g_hi = jnp.max(ids32)

    def seg(g, carry):
        m = ids == g.astype(jnp.int8)
        contrib = jnp.max(jnp.where(m, hr, -jnp.inf), axis=0)[None, :]
        pool_ref[pl.ds(g, 1), :] = jnp.maximum(pool_ref[pl.ds(g, 1), :],
                                               contrib)
        return carry

    lax.fori_loop(g_lo, g_hi + 1, seg, 0)

    @pl.when(k == pl.num_programs(0) - 1)
    def _():
        p = pool_ref[...]
        p = jnp.maximum(jnp.maximum(p[:, 0:32], p[:, 32:64]),
                        jnp.maximum(p[:, 64:96], p[:, 96:128]))
        p = jnp.where(jnp.isfinite(p), p + b1_ref[...], 0.0)
        z = jnp.maximum(jnp.dot(p, w2_ref[...],
                                preferred_element_type=jnp.float32)
                        + b2_ref[...], 0.0)
        o = jax.nn.sigmoid(jnp.dot(z, w3_ref[...],
                                   preferred_element_type=jnp.float32)
                           + b3_ref[...])
        out_ref[...] = o


def _head_kernel(a4, b4, gid128, ea, eb, sel, w1bd, b1p, w2p, b2p, w3p, b3p):
    full = lambda a: pl.BlockSpec(a.shape, lambda i: tuple(0 for _ in a.shape))
    return pl.pallas_call(
        _head_body,
        grid=(D_BLKS,),
        in_specs=[
            pl.BlockSpec((D_BLK, 64), lambda i: (i, 0)),
            pl.BlockSpec((D_BLK, 64), lambda i: (i, 0)),
            pl.BlockSpec((D_BLK, 128), lambda i: (i, 0)),
            full(ea), full(eb), full(sel), full(w1bd), full(b1p),
            full(w2p), full(b2p), full(w3p), full(b3p),
        ],
        out_specs=pl.BlockSpec((G, 8), lambda i: (0, 0)),
        out_shape=jax.ShapeDtypeStruct((G, 8), jnp.float32),
        scratch_shapes=[pltpu.VMEM((G, 128), jnp.float32)],
    )(a4, b4, gid128, ea, eb, sel, w1bd, b1p, w2p, b2p, w3p, b3p)



@jax.jit
def kernel(features, edge_index, graph_ids, W1, b1, W2, b2, W3, b3):
    src1d = edge_index[0].astype(jnp.int32)
    dst1d = edge_index[1].astype(jnp.int32)

    degs = _make_deg_kernel()(src1d, jnp.zeros((DEG_PAD,), jnp.float32))
    dA = degs[0, :N].reshape(N, 1)
    dB = degs[1, :N].reshape(N, 1)

    feat_a, feat_b = _feat_kernel(features, dA, dB)

    agg_a, agg_b = _make_agg_kernel()(
        feat_a, feat_b, src1d, dst1d, jnp.zeros((AGG_PAD, FH), jnp.float32))

    a4 = agg_a.reshape(N // 4, 64)
    b4 = agg_b.reshape(N // 4, 64)
    gid128 = jnp.repeat(graph_ids.astype(jnp.int8), 32).reshape(N // 4, 128)

    r64 = jnp.arange(64)
    ea = jnp.zeros((64, 128), jnp.float32).at[
        r64, 32 * (r64 // 16) + r64 % 16].set(1.0)
    eb = jnp.zeros((64, 128), jnp.float32).at[
        r64, 32 * (r64 // 16) + 16 + r64 % 16].set(1.0)
    basis = jnp.zeros((32, 32), jnp.float32).at[31, :].set(1.0)
    sel = jnp.kron(jnp.eye(4, dtype=jnp.float32), basis)
    w1p = jnp.pad(W1, ((0, 2), (0, 2)))
    w1bd = jnp.kron(jnp.eye(4, dtype=jnp.float32), w1p)
    b1p = jnp.pad(b1, (0, 2)).reshape(1, 32)
    w2p = jnp.pad(W2, ((0, 2), (0, 6)))
    b2p = jnp.pad(b2, (0, 6)).reshape(1, 16)
    w3p = jnp.pad(W3, ((0, 6), (0, 4)))
    b3p = jnp.pad(b3, (0, 4)).reshape(1, 8)

    out8 = _head_kernel(a4, b4, gid128, ea, eb, sel, w1bd, b1p, w2p, b2p,
                        w3p, b3p)
    return out8[:, :4]

# --- scband reference (transcript-rebuilt; emitter-appended) ---
"""Pipeline reference for scband-gconv-net-big-graph-78554951844406 (READ-ONLY COPY).

The authoritative reference and input builder live on the scoring server;
editing this copy changes nothing except your own understanding.
"""

import jax, jax.numpy as jnp
import numpy as np

N_NODES = 100000
N_EDGES = 1600000
IN_FEATS = 30
HIDDEN1 = 30
HIDDEN2 = 10
OUT = 4
N_GRAPHS = 128

def setup_inputs(seed: int = 0) -> dict:
    key = jax.random.key(seed)
    k1, k2, k3, k4, k5, k6, k7, k8, k9 = jax.random.split(key, 9)
    features = jax.random.normal(k1, (N_NODES, IN_FEATS), dtype=jnp.float32)
    edge_index = jax.random.randint(k2, (2, N_EDGES), 0, N_NODES, dtype=jnp.int64)
    graph_ids = jnp.sort(jax.random.randint(k3, (N_NODES,), 0, N_GRAPHS, dtype=jnp.int64))
    W1 = jax.random.normal(k4, (IN_FEATS, HIDDEN1), dtype=jnp.float32) * 0.1
    b1 = jnp.zeros((HIDDEN1,), dtype=jnp.float32)
    W2 = jax.random.normal(k5, (HIDDEN1, HIDDEN2), dtype=jnp.float32) * 0.1
    b2 = jnp.zeros((HIDDEN2,), dtype=jnp.float32)
    W3 = jax.random.normal(k6, (HIDDEN2, OUT), dtype=jnp.float32) * 0.1
    b3 = jnp.zeros((OUT,), dtype=jnp.float32)
    return {"features": features, "edge_index": edge_index, "graph_ids": graph_ids,
            "W1": W1, "b1": b1, "W2": W2, "b2": b2, "W3": W3, "b3": b3}

def reference(features, edge_index, graph_ids, W1, b1, W2, b2, W3, b3):
    N = features.shape[0]
    src = edge_index[0]
    dst = edge_index[1]
    # DGL GraphConv with norm='both': D_out^{-1/2} A D_in^{-1/2} X W + b
    deg_out = jnp.zeros((N,), dtype=jnp.float32).at[src].add(1.0)
    deg_in = jnp.zeros((N,), dtype=jnp.float32).at[dst].add(1.0)
    norm_out = jnp.where(deg_out > 0, jax.lax.rsqrt(jnp.maximum(deg_out, 1.0)), 0.0)
    norm_in = jnp.where(deg_in > 0, jax.lax.rsqrt(jnp.maximum(deg_in, 1.0)), 0.0)
    feat = features * norm_out[:, None]
    msgs = jnp.take(feat, src, axis=0)
    agg = jnp.zeros((N, feat.shape[1]), dtype=jnp.float32).at[dst].add(msgs)
    agg = agg * norm_in[:, None]
    h = agg @ W1 + b1
    # dgl.max_nodes: per-graph max pooling over node features
    pooled = jax.ops.segment_max(h, graph_ids, num_segments=N_GRAPHS)
    pooled = jnp.where(jnp.isfinite(pooled), pooled, 0.0)
    x = jax.nn.relu(pooled @ W2 + b2)
    x = jax.nn.sigmoid(x @ W3 + b3)
    return x

if __name__ == "__main__":
    import jax
    _d = setup_inputs()
    print(jax.jit(kernel)(*tuple(_d.values())))

</pallas_src>

<mosaic_0001>
#map = affine_map<(d0, d1) -> (0, 0)>
#map1 = affine_map<(d0, d1) -> (0)>
module attributes {stable_mosaic.version = 14 : i64} {
  func.func @_agg_body(%arg0: i32, %arg1: i32, %arg2: memref<100000x16xf32, #tpu.memory_space<hbm>>, %arg3: memref<100000x16xf32, #tpu.memory_space<hbm>>, %arg4: memref<1600000xi32, #tpu.memory_space<hbm>>, %arg5: memref<1600000xi32, #tpu.memory_space<hbm>>, %arg6: memref<100008x16xf32, #tpu.memory_space<hbm>>, %arg7: memref<100000x16xf32, #tpu.memory_space<hbm>>, %arg8: memref<100000x16xf32, #tpu.memory_space<hbm>>, %arg9: memref<100008x16xf32, #tpu.memory_space<vmem_shared>>, %arg10: memref<1024xi32, #tpu.memory_space<vmem>>, %arg11: memref<1024xi32, #tpu.memory_space<vmem>>, %arg12: memref<1024x16xf32, #tpu.memory_space<vmem>>, %arg13: memref<!tpu.dma_semaphore, #tpu.memory_space<semaphore_mem>>, %arg14: memref<!tpu.dma_semaphore, #tpu.memory_space<semaphore_mem>>) attributes {dimension_semantics = [#tpu.dimension_semantics<core_parallel>, #tpu.dimension_semantics<subcore_parallel>], iteration_bounds = array<i64: 2, 16>, scalar_prefetch = 0 : i64, scratch_operands = 6 : i64, tpu.core_type = #tpu.core_type<sc_vector_subcore>, window_params = [{transform_indices = #map}, {transform_indices = #map}, {transform_indices = #map1}, {transform_indices = #map1}, {transform_indices = #map}, {transform_indices = #map}, {transform_indices = #map}]} {
    %lt3A = arith.constant 15 : i32
    %lt3A_0 = arith.cmpi slt, %arg1, %lt3A : i32
    %convert_element_type3A = arith.extui %lt3A_0 : i1 to i32
    %cond3A = arith.constant 0 : i32
    %cond3A_1 = arith.cmpi ne, %convert_element_type3A, %cond3A : i32
    scf.if %cond3A_1 {
      %mul3A_296 = arith.constant 6256 : i32
      %mul3A_297 = arith.muli %arg1, %mul3A_296 : i32
      %mul3A_298 = arith.constant 6256 : i32
      %mul3A_299 = arith.muli %arg1, %mul3A_298 : i32
      "tpu.region"() ({
        %run_scoped3A = tpu.sem_alloc : memref<!tpu.dma_semaphore, #tpu.memory_space<semaphore_mem>>
        %dma_start3A = arith.constant 0 : i32
        %dma_start3A_300 = tpu.memref_slice %arg9[%mul3A_299, %dma_start3A] : memref<100008x16xf32, #tpu.memory_space<vmem_shared>> -> memref<6256x16xf32, #tpu.memory_space<vmem_shared>>
        %dma_start3A_301 = arith.constant 0 : i32
        %dma_start3A_302 = tpu.memref_slice %arg6[%mul3A_297, %dma_start3A_301] : memref<100008x16xf32, #tpu.memory_space<hbm>> -> memref<6256x16xf32, #tpu.memory_space<hbm>>
        tpu.enqueue_dma source(%dma_start3A_302 : memref<6256x16xf32, #tpu.memory_space<hbm>>) target(%dma_start3A_300 : memref<6256x16xf32, #tpu.memory_space<vmem_shared>>) target_semaphore(%run_scoped3A : memref<!tpu.dma_semaphore, #tpu.memory_space<semaphore_mem>>)
        %dma_wait3A = arith.constant 0 : i32
        %dma_wait3A_303 = tpu.memref_slice %arg9[%mul3A_299, %dma_wait3A] : memref<100008x16xf32, #tpu.memory_space<vmem_shared>> -> memref<6256x16xf32, #tpu.memory_space<vmem_shared>>
        %dma_wait3A_304 = arith.constant 0 : i32
        %dma_wait3A_305 = tpu.memref_slice %arg6[%mul3A_297, %dma_wait3A_304] : memref<100008x16xf32, #tpu.memory_space<hbm>> -> memref<6256x16xf32, #tpu.memory_space<hbm>>
        tpu.wait_dma2 semaphore(%run_scoped3A : memref<!tpu.dma_semaphore, #tpu.memory_space<semaphore_mem>>) src(%dma_wait3A_305 : memref<6256x16xf32, #tpu.memory_space<hbm>>) dst(%dma_wait3A_303 : memref<6256x16xf32, #tpu.memory_space<vmem_shared>>)
        tpu.yield
      }) : () -> ()
    } else {
    }
    %eq3A = arith.constant 15 : i32
    %eq3A_2 = arith.cmpi eq, %arg1, %eq3A : i32
    %convert_element_type3A_3 = arith.extui %eq3A_2 : i1 to i32
    %cond3A_4 = arith.constant 0 : i32
    %cond3A_5 = arith.cmpi ne, %convert_element_type3A_3, %cond3A_4 : i32
    scf.if %cond3A_5 {
      "tpu.region"() ({
        %run_scoped3A = tpu.sem_alloc : memref<!tpu.dma_semaphore, #tpu.memory_space<semaphore_mem>>
        %dma_start3A = arith.constant 93840 : i32
        %dma_start3A_296 = arith.constant 0 : i32
        %dma_start3A_297 = tpu.memref_slice %arg9[%dma_start3A, %dma_start3A_296] : memref<100008x16xf32, #tpu.memory_space<vmem_shared>> -> memref<6168x16xf32, #tpu.memory_space<vmem_shared>>
        %dma_start3A_298 = arith.constant 93840 : i32
        %dma_start3A_299 = arith.constant 0 : i32
        %dma_start3A_300 = tpu.memref_slice %arg6[%dma_start3A_298, %dma_start3A_299] : memref<100008x16xf32, #tpu.memory_space<hbm>> -> memref<6168x16xf32, #tpu.memory_space<hbm>>
        tpu.enqueue_dma source(%dma_start3A_300 : memref<6168x16xf32, #tpu.memory_space<hbm>>) target(%dma_start3A_297 : memref<6168x16xf32, #tpu.memory_space<vmem_shared>>) target_semaphore(%run_scoped3A : memref<!tpu.dma_semaphore, #tpu.memory_space<semaphore_mem>>)
        %dma_wait3A = arith.constant 93840 : i32
        %dma_wait3A_301 = arith.constant 0 : i32
        %dma_wait3A_302 = tpu.memref_slice %arg9[%dma_wait3A, %dma_wait3A_301] : memref<100008x16xf32, #tpu.memory_space<vmem_shared>> -> memref<6168x16xf32, #tpu.memory_space<vmem_shared>>
        %dma_wait3A_303 = arith.constant 93840 : i32
        %dma_wait3A_304 = arith.constant 0 : i32
        %dma_wait3A_305 = tpu.memref_slice %arg6[%dma_wait3A_303, %dma_wait3A_304] : memref<100008x16xf32, #tpu.memory_space<hbm>> -> memref<6168x16xf32, #tpu.memory_space<hbm>>
        tpu.wait_dma2 semaphore(%run_scoped3A : memref<!tpu.dma_semaphore, #tpu.memory_space<semaphore_mem>>) src(%dma_wait3A_305 : memref<6168x16xf32, #tpu.memory_space<hbm>>) dst(%dma_wait3A_302 : memref<6168x16xf32, #tpu.memory_space<vmem_shared>>)
        tpu.yield
      }) : () -> ()
    } else {
    }
    %barrier3A = arith.constant 0 : index
    tpu.barrier barrier_id(%barrier3A)
    %mul3A = arith.constant 100000 : i32
    %mul3A_6 = arith.muli %arg1, %mul3A : i32
    %scan3A = arith.constant 0 : i32
    %scan3A_7 = arith.constant 0 : i32
    %scan3A_8 = arith.constant 97 : i32
    %scan3A_9 = arith.addi %scan3A_7, %scan3A_8 : i32
    %scan3A_10 = arith.constant 1 : i32
    scf.for %scan3A_296 = %scan3A_7 to %scan3A_9 step %scan3A_10  : i32 {
      %mul3A_297 = arith.constant 1024 : i32
      %mul3A_298 = arith.muli %scan3A_296, %mul3A_297 : i32
      %add3A_299 = arith.addi %mul3A_6, %mul3A_298 : i32
      "tpu.region"() ({
        %run_scoped3A = tpu.sem_alloc : memref<!tpu.dma_semaphore, #tpu.memory_space<semaphore_mem>>
        %dma_start3A = tpu.memref_slice %arg4[%add3A_299] : memref<1600000xi32, #tpu.memory_space<hbm>> -> memref<1024xi32, #tpu.memory_space<hbm>>
        %dma_start3A_310 = tpu.memref_slice %arg4[%add3A_299] : memref<1600000xi32, #tpu.memory_space<hbm>> -> memref<1024xi32, #tpu.memory_space<hbm>>
        tpu.enqueue_dma source(%dma_start3A_310 : memref<1024xi32, #tpu.memory_space<hbm>>) target(%arg10 : memref<1024xi32, #tpu.memory_space<vmem>>) target_semaphore(%run_scoped3A : memref<!tpu.dma_semaphore, #tpu.memory_space<semaphore_mem>>)
        %dma_wait3A = tpu.memref_slice %arg4[%add3A_299] : memref<1600000xi32, #tpu.memory_space<hbm>> -> memref<1024xi32, #tpu.memory_space<hbm>>
        %dma_wait3A_311 = tpu.memref_slice %arg4[%add3A_299] : memref<1600000xi32, #tpu.memory_space<hbm>> -> memref<1024xi32, #tpu.memory_space<hbm>>
        tpu.wait_dma2 semaphore(%run_scoped3A : memref<!tpu.dma_semaphore, #tpu.memory_space<semaphore_mem>>) src(%dma_wait3A_311 : memref<1024xi32, #tpu.memory_space<hbm>>) dst(%arg10 : memref<1024xi32, #tpu.memory_space<vmem>>)
        tpu.yield
      }) : () -> ()
      "tpu.region"() ({
        %run_scoped3A = tpu.sem_alloc : memref<!tpu.dma_semaphore, #tpu.memory_space<semaphore_mem>>
        %dma_start3A = tpu.memref_slice %arg5[%add3A_299] : memref<1600000xi32, #tpu.memory_space<hbm>> -> memref<1024xi32, #tpu.memory_space<hbm>>
        %dma_start3A_310 = tpu.memref_slice %arg5[%add3A_299] : memref<1600000xi32, #tpu.memory_space<hbm>> -> memref<1024xi32, #tpu.memory_space<hbm>>
        tpu.enqueue_dma source(%dma_start3A_310 : memref<1024xi32, #tpu.memory_space<hbm>>) target(%arg11 : memref<1024xi32, #tpu.memory_space<vmem>>) target_semaphore(%run_scoped3A : memref<!tpu.dma_semaphore, #tpu.memory_space<semaphore_mem>>)
        %dma_wait3A = tpu.memref_slice %arg5[%add3A_299] : memref<1600000xi32, #tpu.memory_space<hbm>> -> memref<1024xi32, #tpu.memory_space<hbm>>
        %dma_wait3A_311 = tpu.memref_slice %arg5[%add3A_299] : memref<1600000xi32, #tpu.memory_space<hbm>> -> memref<1024xi32, #tpu.memory_space<hbm>>
        tpu.wait_dma2 semaphore(%run_scoped3A : memref<!tpu.dma_semaphore, #tpu.memory_space<semaphore_mem>>) src(%dma_wait3A_311 : memref<1024xi32, #tpu.memory_space<hbm>>) dst(%arg11 : memref<1024xi32, #tpu.memory_space<vmem>>)
        tpu.yield
      }) : () -> ()
      %eq3A_300 = arith.constant 0 : i32
      %eq3A_301 = arith.cmpi eq, %arg0, %eq3A_300 : i32
      %convert_element_type3A_302 = arith.extui %eq3A_301 : i1 to i32
      %cond3A_303 = arith.constant 0 : i32
      %cond3A_304 = arith.cmpi ne, %convert_element_type3A_302, %cond3A_303 : i32
      scf.if %cond3A_304 {
        %dma_start3A = arith.constant 0 : i32
        %dma_start3A_310 = arith.constant 0 : i32
        %dma_start3A_311 = tpu.memref_slice %arg2[%dma_start3A, %dma_start3A_310] : memref<100000x16xf32, #tpu.memory_space<hbm>> -> memref<100000x16xf32, #tpu.memory_space<hbm>>
        tpu.enqueue_indirect_dma source(%dma_start3A_311 : memref<100000x16xf32, #tpu.memory_space<hbm>>) target(%arg12 : memref<1024x16xf32, #tpu.memory_space<vmem>>) offsets(%arg10 : memref<1024xi32, #tpu.memory_space<vmem>>) semaphore(%arg13 : memref<!tpu.dma_semaphore, #tpu.memory_space<semaphore_mem>>)
        %dma_wait3A = arith.constant 0 : i32
        %dma_wait3A_312 = arith.constant 0 : i32
        %dma_wait3A_313 = tpu.memref_slice %arg2[%dma_wait3A, %dma_wait3A_312] : memref<100000x16xf32, #tpu.memory_space<hbm>> -> memref<100000x16xf32, #tpu.memory_space<hbm>>
        tpu.wait_indirect_dma semaphore(%arg13 : memref<!tpu.dma_semaphore, #tpu.memory_space<semaphore_mem>>) src(%dma_wait3A_313 : memref<100000x16xf32, #tpu.memory_space<hbm>>) dst(%arg12 : memref<1024x16xf32, #tpu.memory_space<vmem>>)
      } else {
      }
      %eq3A_305 = arith.constant 1 : i32
      %eq3A_306 = arith.cmpi eq, %arg0, %eq3A_305 : i32
      %convert_element_type3A_307 = arith.extui %eq3A_306 : i1 to i32
      %cond3A_308 = arith.constant 0 : i32
      %cond3A_309 = arith.cmpi ne, %convert_element_type3A_307, %cond3A_308 : i32
      scf.if %cond3A_309 {
        %dma_start3A = arith.constant 0 : i32
        %dma_start3A_310 = arith.constant 0 : i32
        %dma_start3A_311 = tpu.memref_slice %arg3[%dma_start3A, %dma_start3A_310] : memref<100000x16xf32, #tpu.memory_space<hbm>> -> memref<100000x16xf32, #tpu.memory_space<hbm>>
        tpu.enqueue_indirect_dma source(%dma_start3A_311 : memref<100000x16xf32, #tpu.memory_space<hbm>>) target(%arg12 : memref<1024x16xf32, #tpu.memory_space<vmem>>) offsets(%arg10 : memref<1024xi32, #tpu.memory_space<vmem>>) semaphore(%arg13 : memref<!tpu.dma_semaphore, #tpu.memory_space<semaphore_mem>>)
        %dma_wait3A = arith.constant 0 : i32
        %dma_wait3A_312 = arith.constant 0 : i32
        %dma_wait3A_313 = tpu.memref_slice %arg3[%dma_wait3A, %dma_wait3A_312] : memref<100000x16xf32, #tpu.memory_space<hbm>> -> memref<100000x16xf32, #tpu.memory_space<hbm>>
        tpu.wait_indirect_dma semaphore(%arg13 : memref<!tpu.dma_semaphore, #tpu.memory_space<semaphore_mem>>) src(%dma_wait3A_313 : memref<100000x16xf32, #tpu.memory_space<hbm>>) dst(%arg12 : memref<1024x16xf32, #tpu.memory_space<vmem>>)
      } else {
      }
      "tpu.region"() ({
        %run_scoped3A = tpu.sem_alloc : memref<!tpu.dma_semaphore, #tpu.memory_space<semaphore_mem>>
        %dma_start3A = arith.constant 0 : i32
        %dma_start3A_310 = arith.constant 0 : i32
        %dma_start3A_311 = tpu.memref_slice %arg9[%dma_start3A, %dma_start3A_310] : memref<100008x16xf32, #tpu.memory_space<vmem_shared>> -> memref<100008x16xf32, #tpu.memory_space<vmem_shared>>
        tpu.enqueue_indirect_dma source(%arg12 : memref<1024x16xf32, #tpu.memory_space<vmem>>) target(%dma_start3A_311 : memref<100008x16xf32, #tpu.memory_space<vmem_shared>>) offsets(%arg11 : memref<1024xi32, #tpu.memory_space<vmem>>) semaphore(%run_scoped3A : memref<!tpu.dma_semaphore, #tpu.memory_space<semaphore_mem>>) {add = true}
        %dma_wait3A = arith.constant 0 : i32
        %dma_wait3A_312 = arith.constant 0 : i32
        %dma_wait3A_313 = tpu.memref_slice %arg9[%dma_wait3A, %dma_wait3A_312] : memref<100008x16xf32, #tpu.memory_space<vmem_shared>> -> memref<100008x16xf32, #tpu.memory_space<vmem_shared>>
        tpu.wait_indirect_dma semaphore(%run_scoped3A : memref<!tpu.dma_semaphore, #tpu.memory_space<semaphore_mem>>) src(%arg12 : memref<1024x16xf32, #tpu.memory_space<vmem>>) dst(%dma_wait3A_313 : memref<100008x16xf32, #tpu.memory_space<vmem_shared>>)
        tpu.yield
      }) : () -> ()
    }
    %scan3A_11 = arith.constant 97 : i32
    %add3A = arith.constant 99328 : i32
    %add3A_12 = arith.addi %mul3A_6, %add3A : i32
    "tpu.region"() ({
      %run_scoped3A = tpu.sem_alloc : memref<!tpu.dma_semaphore, #tpu.memory_space<semaphore_mem>>
      %dma_start3A = arith.constant 0 : i32
      %dma_start3A_296 = tpu.memref_slice %arg10[%dma_start3A] : memref<1024xi32, #tpu.memory_space<vmem>> -> memref<672xi32, #tpu.memory_space<vmem>>
      %dma_start3A_297 = tpu.memref_slice %arg4[%add3A_12] : memref<1600000xi32, #tpu.memory_space<hbm>> -> memref<672xi32, #tpu.memory_space<hbm>>
      %dma_start3A_298 = arith.constant 0 : i32
      %dma_start3A_299 = tpu.memref_slice %arg10[%dma_start3A_298] : memref<1024xi32, #tpu.memory_space<vmem>> -> memref<672xi32, #tpu.memory_space<vmem>>
      %dma_start3A_300 = tpu.memref_slice %arg4[%add3A_12] : memref<1600000xi32, #tpu.memory_space<hbm>> -> memref<672xi32, #tpu.memory_space<hbm>>
      tpu.enqueue_dma source(%dma_start3A_300 : memref<672xi32, #tpu.memory_space<hbm>>) target(%dma_start3A_299 : memref<672xi32, #tpu.memory_space<vmem>>) target_semaphore(%run_scoped3A : memref<!tpu.dma_semaphore, #tpu.memory_space<semaphore_mem>>)
      %dma_wait3A = arith.constant 0 : i32
      %dma_wait3A_301 = tpu.memref_slice %arg10[%dma_wait3A] : memref<1024xi32, #tpu.memory_space<vmem>> -> memref<672xi32, #tpu.memory_space<vmem>>
      %dma_wait3A_302 = tpu.memref_slice %arg4[%add3A_12] : memref<1600000xi32, #tpu.memory_space<hbm>> -> memref<672xi32, #tpu.memory_space<hbm>>
      %dma_wait3A_303 = arith.constant 0 : i32
      %dma_wait3A_304 = tpu.memref_slice %arg10[%dma_wait3A_303] : memref<1024xi32, #tpu.memory_space<vmem>> -> memref<672xi32, #tpu.memory_space<vmem>>
      %dma_wait3A_305 = tpu.memref_slice %arg4[%add3A_12] : memref<1600000xi32, #tpu.memory_space<hbm>> -> memref<672xi32, #tpu.memory_space<hbm>>
      tpu.wait_dma2 semaphore(%run_scoped3A : memref<!tpu.dma_semaphore, #tpu.memory_space<semaphore_mem>>) src(%dma_wait3A_305 : memref<672xi32, #tpu.memory_space<hbm>>) dst(%dma_wait3A_304 : memref<672xi32, #tpu.memory_space<vmem>>)
      tpu.yield
    }) : () -> ()
    "tpu.region"() ({
      %run_scoped3A = tpu.sem_alloc : memref<!tpu.dma_semaphore, #tpu.memory_space<semaphore_mem>>
      %dma_start3A = arith.constant 0 : i32
      %dma_start3A_296 = tpu.memref_slice %arg11[%dma_start3A] : memref<1024xi32, #tpu.memory_space<vmem>> -> memref<672xi32, #tpu.memory_space<vmem>>
      %dma_start3A_297 = tpu.memref_slice %arg5[%add3A_12] : memref<1600000xi32, #tpu.memory_space<hbm>> -> memref<672xi32, #tpu.memory_space<hbm>>
      %dma_start3A_298 = arith.constant 0 : i32
      %dma_start3A_299 = tpu.memref_slice %arg11[%dma_start3A_298] : memref<1024xi32, #tpu.memory_space<vmem>> -> memref<672xi32, #tpu.memory_space<vmem>>
      %dma_start3A_300 = tpu.memref_slice %arg5[%add3A_12] : memref<1600000xi32, #tpu.memory_space<hbm>> -> memref<672xi32, #tpu.memory_space<hbm>>
      tpu.enqueue_dma source(%dma_start3A_300 : memref<672xi32, #tpu.memory_space<hbm>>) target(%dma_start3A_299 : memref<672xi32, #tpu.memory_space<vmem>>) target_semaphore(%run_scoped3A : memref<!tpu.dma_semaphore, #tpu.memory_space<semaphore_mem>>)
      %dma_wait3A = arith.constant 0 : i32
      %dma_wait3A_301 = tpu.memref_slice %arg11[%dma_wait3A] : memref<1024xi32, #tpu.memory_space<vmem>> -> memref<672xi32, #tpu.memory_space<vmem>>
      %dma_wait3A_302 = tpu.memref_slice %arg5[%add3A_12] : memref<1600000xi32, #tpu.memory_space<hbm>> -> memref<672xi32, #tpu.memory_space<hbm>>
      %dma_wait3A_303 = arith.constant 0 : i32
      %dma_wait3A_304 = tpu.memref_slice %arg11[%dma_wait3A_303] : memref<1024xi32, #tpu.memory_space<vmem>> -> memref<672xi32, #tpu.memory_space<vmem>>
      %dma_wait3A_305 = tpu.memref_slice %arg5[%add3A_12] : memref<1600000xi32, #tpu.memory_space<hbm>> -> memref<672xi32, #tpu.memory_space<hbm>>
      tpu.wait_dma2 semaphore(%run_scoped3A : memref<!tpu.dma_semaphore, #tpu.memory_space<semaphore_mem>>) src(%dma_wait3A_305 : memref<672xi32, #tpu.memory_space<hbm>>) dst(%dma_wait3A_304 : memref<672xi32, #tpu.memory_space<vmem>>)
      tpu.yield
    }) : () -> ()
    %broadcast_in_dim3A = arith.constant 0 : i32
    %broadcast_in_dim3A_13 = vector.broadcast %broadcast_in_dim3A : i32 to vector<16xi32>
    %swap3A = arith.constant 672 : index
    %swap3A_14 = tpu.vector_load %arg10[%swap3A] {strides = array<i32>} : memref<1024xi32, #tpu.memory_space<vmem>>, vector<16xi32>,
    %swap3A_15 = vector.shape_cast %swap3A_14 : vector<16xi32> to vector<16xi32>
    %swap3A_16 = vector.shape_cast %broadcast_in_dim3A_13 : vector<16xi32> to vector<16xi32>
    tpu.vector_store %arg10[%swap3A], %swap3A_16 {strides = array<i32>} : memref<1024xi32, #tpu.memory_space<vmem>>, vector<16xi32>,
    %broadcast_in_dim3A_17 = arith.constant 100000 : i32
    %broadcast_in_dim3A_18 = vector.broadcast %broadcast_in_dim3A_17 : i32 to vector<16xi32>
    %swap3A_19 = arith.constant 672 : index
    %swap3A_20 = tpu.vector_load %arg11[%swap3A_19] {strides = array<i32>} : memref<1024xi32, #tpu.memory_space<vmem>>, vector<16xi32>,
    %swap3A_21 = vector.shape_cast %swap3A_20 : vector<16xi32> to vector<16xi32>
    %swap3A_22 = vector.shape_cast %broadcast_in_dim3A_18 : vector<16xi32> to vector<16xi32>
    tpu.vector_store %arg11[%swap3A_19], %swap3A_22 {strides = array<i32>} : memref<1024xi32, #tpu.memory_space<vmem>>, vector<16xi32>,
    %broadcast_in_dim3A_23 = arith.constant 0 : i32
    %broadcast_in_dim3A_24 = vector.broadcast %broadcast_in_dim3A_23 : i32 to vector<16xi32>
    %swap3A_25 = arith.constant 688 : index
    %swap3A_26 = tpu.vector_load %arg10[%swap3A_25] {strides = array<i32>} : memref<1024xi32, #tpu.memory_space<vmem>>, vector<16xi32>,
    %swap3A_27 = vector.shape_cast %swap3A_26 : vector<16xi32> to vector<16xi32>
    %swap3A_28 = vector.shape_cast %broadcast_in_dim3A_24 : vector<16xi32> to vector<16xi32>
    tpu.vector_store %arg10[%swap3A_25], %swap3A_28 {strides = array<i32>} : memref<1024xi32, #tpu.memory_space<vmem>>, vector<16xi32>,
    %broadcast_in_dim3A_29 = arith.constant 100000 : i32
    %broadcast_in_dim3A_30 = vector.broadcast %broadcast_in_dim3A_29 : i32 to vector<16xi32>
    %swap3A_31 = arith.constant 688 : index
    %swap3A_32 = tpu.vector_load %arg11[%swap3A_31] {strides = array<i32>} : memref<1024xi32, #tpu.memory_space<vmem>>, vector<16xi32>,
    %swap3A_33 = vector.shape_cast %swap3A_32 : vector<16xi32> to vector<16xi32>
    %swap3A_34 = vector.shape_cast %broadcast_in_dim3A_30 : vector<16xi32> to vector<16xi32>
    tpu.vector_store %arg11[%swap3A_31], %swap3A_34 {strides = array<i32>} : memref<1024xi32, #tpu.memory_space<vmem>>, vector<16xi32>,
    %broadcast_in_dim3A_35 = arith.constant 0 : i32
    %broadcast_in_dim3A_36 = vector.broadcast %broadcast_in_dim3A_35 : i32 to vector<16xi32>
    %swap3A_37 = arith.constant 704 : index
    %swap3A_38 = tpu.vector_load %arg10[%swap3A_37] {strides = array<i32>} : memref<1024xi32, #tpu.memory_space<vmem>>, vector<16xi32>,
    %swap3A_39 = vector.shape_cast %swap3A_38 : vector<16xi32> to vector<16xi32>
    %swap3A_40 = vector.shape_cast %broadcast_in_dim3A_36 : vector<16xi32> to vector<16xi32>
    tpu.vector_store %arg10[%swap3A_37], %swap3A_40 {strides = array<i32>} : memref<1024xi32, #tpu.memory_space<vmem>>, vector<16xi32>,
    %broadcast_in_dim3A_41 = arith.constant 100000 : i32
    %broadcast_in_dim3A_42 = vector.broadcast %broadcast_in_dim3A_41 : i32 to vector<16xi32>
    %swap3A_43 = arith.constant 704 : index
    %swap3A_44 = tpu.vector_load %arg11[%swap3A_43] {strides = array<i32>} : memref<1024xi32, #tpu.memory_space<vmem>>, vector<16xi32>,
    %swap3A_45 = vector.shape_cast %swap3A_44 : vector<16xi32> to vector<16xi32>
    %swap3A_46 = vector.shape_cast %broadcast_in_dim3A_42 : vector<16xi32> to vector<16xi32>
    tpu.vector_store %arg11[%swap3A_43], %swap3A_46 {strides = array<i32>} : memref<1024xi32, #tpu.memory_space<vmem>>, vector<16xi32>,
    %broadcast_in_dim3A_47 = arith.constant 0 : i32
    %broadcast_in_dim3A_48 = vector.broadcast %broadcast_in_dim3A_47 : i32 to vector<16xi32>
    %swap3A_49 = arith.constant 720 : index
    %swap3A_50 = tpu.vector_load %arg10[%swap3A_49] {strides = array<i32>} : memref<1024xi32, #tpu.memory_space<vmem>>, vector<16xi32>,
    %swap3A_51 = vector.shape_cast %swap3A_50 : vector<16xi32> to vector<16xi32>
    %swap3A_52 = vector.shape_cast %broadcast_in_dim3A_48 : vector<16xi32> to vector<16xi32>
    tpu.vector_store %arg10[%swap3A_49], %swap3A_52 {strides = array<i32>} : memref<1024xi32, #tpu.memory_space<vmem>>, vector<16xi32>,
    %broadcast_in_dim3A_53 = arith.constant 100000 : i32
    %broadcast_in_dim3A_54 = vector.broadcast %broadcast_in_dim3A_53 : i32 to vector<16xi32>
    %swap3A_55 = arith.constant 720 : index
    %swap3A_56 = tpu.vector_load %arg11[%swap3A_55] {strides = array<i32>} : memref<1024xi32, #tpu.memory_space<vmem>>, vector<16xi32>,
    %swap3A_57 = vector.shape_cast %swap3A_56 : vector<16xi32> to vector<16xi32>
    %swap3A_58 = vector.shape_cast %broadcast_in_dim3A_54 : vector<16xi32> to vector<16xi32>
    tpu.vector_store %arg11[%swap3A_55], %swap3A_58 {strides = array<i32>} : memref<1024xi32, #tpu.memory_space<vmem>>, vector<16xi32>,
    %broadcast_in_dim3A_59 = arith.constant 0 : i32
    %broadcast_in_dim3A_60 = vector.broadcast %broadcast_in_dim3A_59 : i32 to vector<16xi32>
    %swap3A_61 = arith.constant 736 : index
    %swap3A_62 = tpu.vector_load %arg10[%swap3A_61] {strides = array<i32>} : memref<1024xi32, #tpu.memory_space<vmem>>, vector<16xi32>,
    %swap3A_63 = vector.shape_cast %swap3A_62 : vector<16xi32> to vector<16xi32>
    %swap3A_64 = vector.shape_cast %broadcast_in_dim3A_60 : vector<16xi32> to vector<16xi32>
    tpu.vector_store %arg10[%swap3A_61], %swap3A_64 {strides = array<i32>} : memref<1024xi32, #tpu.memory_space<vmem>>, vector<16xi32>,
    %broadcast_in_dim3A_65 = arith.constant 100000 : i32
    %broadcast_in_dim3A_66 = vector.broadcast %broadcast_in_dim3A_65 : i32 to vector<16xi32>
    %swap3A_67 = arith.constant 736 : index
    %swap3A_68 = tpu.vector_load %arg11[%swap3A_67] {strides = array<i32>} : memref<1024xi32, #tpu.memory_space<vmem>>, vector<16xi32>,
    %swap3A_69 = vector.shape_cast %swap3A_68 : vector<16xi32> to vector<16xi32>
    %swap3A_70 = vector.shape_cast %broadcast_in_dim3A_66 : vector<16xi32> to vector<16xi32>
    tpu.vector_store %arg11[%swap3A_67], %swap3A_70 {strides = array<i32>} : memref<1024xi32, #tpu.memory_space<vmem>>, vector<16xi32>,
    %broadcast_in_dim3A_71 = arith.constant 0 : i32
    %broadcast_in_dim3A_72 = vector.broadcast %broadcast_in_dim3A_71 : i32 to vector<16xi32>
    %swap3A_73 = arith.constant 752 : index
    %swap3A_74 = tpu.vector_load %arg10[%swap3A_73] {strides = array<i32>} : memref<1024xi32, #tpu.memory_space<vmem>>, vector<16xi32>,
    %swap3A_75 = vector.shape_cast %swap3A_74 : vector<16xi32> to vector<16xi32>
    %swap3A_76 = vector.shape_cast %broadcast_in_dim3A_72 : vector<16xi32> to vector<16xi32>
    tpu.vector_store %arg10[%swap3A_73], %swap3A_76 {strides = array<i32>} : memref<1024xi32, #tpu.memory_space<vmem>>, vector<16xi32>,
    %broadcast_in_dim3A_77 = arith.constant 100000 : i32
    %broadcast_in_dim3A_78 = vector.broadcast %broadcast_in_dim3A_77 : i32 to vector<16xi32>
    %swap3A_79 = arith.constant 752 : index
    %swap3A_80 = tpu.vector_load %arg11[%swap3A_79] {strides = array<i32>} : memref<1024xi32, #tpu.memory_space<vmem>>, vector<16xi32>,
    %swap3A_81 = vector.shape_cast %swap3A_80 : vector<16xi32> to vector<16xi32>
    %swap3A_82 = vector.shape_cast %broadcast_in_dim3A_78 : vector<16xi32> to vector<16xi32>
    tpu.vector_store %arg11[%swap3A_79], %swap3A_82 {strides = array<i32>} : memref<1024xi32, #tpu.memory_space<vmem>>, vector<16xi32>,
    %broadcast_in_dim3A_83 = arith.constant 0 : i32
    %broadcast_in_dim3A_84 = vector.broadcast %broadcast_in_dim3A_83 : i32 to vector<16xi32>
    %swap3A_85 = arith.constant 768 : index
    %swap3A_86 = tpu.vector_load %arg10[%swap3A_85] {strides = array<i32>} : memref<1024xi32, #tpu.memory_space<vmem>>, vector<16xi32>,
    %swap3A_87 = vector.shape_cast %swap3A_86 : vector<16xi32> to vector<16xi32>
    %swap3A_88 = vector.shape_cast %broadcast_in_dim3A_84 : vector<16xi32> to vector<16xi32>
    tpu.vector_store %arg10[%swap3A_85], %swap3A_88 {strides = array<i32>} : memref<1024xi32, #tpu.memory_space<vmem>>, vector<16xi32>,
    %broadcast_in_dim3A_89 = arith.constant 100000 : i32
    %broadcast_in_dim3A_90 = vector.broadcast %broadcast_in_dim3A_89 : i32 to vector<16xi32>
    %swap3A_91 = arith.constant 768 : index
    %swap3A_92 = tpu.vector_load %arg11[%swap3A_91] {strides = array<i32>} : memref<1024xi32, #tpu.memory_space<vmem>>, vector<16xi32>,
    %swap3A_93 = vector.shape_cast %swap3A_92 : vector<16xi32> to vector<16xi32>
    %swap3A_94 = vector.shape_cast %broadcast_in_dim3A_90 : vector<16xi32> to vector<16xi32>
    tpu.vector_store %arg11[%swap3A_91], %swap3A_94 {strides = array<i32>} : memref<1024xi32, #tpu.memory_space<vmem>>, vector<16xi32>,
    %broadcast_in_dim3A_95 = arith.constant 0 : i32
    %broadcast_in_dim3A_96 = vector.broadcast %broadcast_in_dim3A_95 : i32 to vector<16xi32>
    %swap3A_97 = arith.constant 784 : index
    %swap3A_98 = tpu.vector_load %arg10[%swap3A_97] {strides = array<i32>} : memref<1024xi32, #tpu.memory_space<vmem>>, vector<16xi32>,
    %swap3A_99 = vector.shape_cast %swap3A_98 : vector<16xi32> to vector<16xi32>
    %swap3A_100 = vector.shape_cast %broadcast_in_dim3A_96 : vector<16xi32> to vector<16xi32>
    tpu.vector_store %arg10[%swap3A_97], %swap3A_100 {strides = array<i32>} : memref<1024xi32, #tpu.memory_space<vmem>>, vector<16xi32>,
    %broadcast_in_dim3A_101 = arith.constant 100000 : i32
    %broadcast_in_dim3A_102 = vector.broadcast %broadcast_in_dim3A_101 : i32 to vector<16xi32>
    %swap3A_103 = arith.constant 784 : index
    %swap3A_104 = tpu.vector_load %arg11[%swap3A_103] {strides = array<i32>} : memref<1024xi32, #tpu.memory_space<vmem>>, vector<16xi32>,
    %swap3A_105 = vector.shape_cast %swap3A_104 : vector<16xi32> to vector<16xi32>
    %swap3A_106 = vector.shape_cast %broadcast_in_dim3A_102 : vector<16xi32> to vector<16xi32>
    tpu.vector_store %arg11[%swap3A_103], %swap3A_106 {strides = array<i32>} : memref<1024xi32, #tpu.memory_space<vmem>>, vector<16xi32>,
    %broadcast_in_dim3A_107 = arith.constant 0 : i32
    %broadcast_in_dim3A_108 = vector.broadcast %broadcast_in_dim3A_107 : i32 to vector<16xi32>
    %swap3A_109 = arith.constant 800 : index
    %swap3A_110 = tpu.vector_load %arg10[%swap3A_109] {strides = array<i32>} : memref<1024xi32, #tpu.memory_space<vmem>>, vector<16xi32>,
    %swap3A_111 = vector.shape_cast %swap3A_110 : vector<16xi32> to vector<16xi32>
    %swap3A_112 = vector.shape_cast %broadcast_in_dim3A_108 : vector<16xi32> to vector<16xi32>
    tpu.vector_store %arg10[%swap3A_109], %swap3A_112 {strides = array<i32>} : memref<1024xi32, #tpu.memory_space<vmem>>, vector<16xi32>,
    %broadcast_in_dim3A_113 = arith.constant 100000 : i32
    %broadcast_in_dim3A_114 = vector.broadcast %broadcast_in_dim3A_113 : i32 to vector<16xi32>
    %swap3A_115 = arith.constant 800 : index
    %swap3A_116 = tpu.vector_load %arg11[%swap3A_115] {strides = array<i32>} : memref<1024xi32, #tpu.memory_space<vmem>>, vector<16xi32>,
    %swap3A_117 = vector.shape_cast %swap3A_116 : vector<16xi32> to vector<16xi32>
    %swap3A_118 = vector.shape_cast %broadcast_in_dim3A_114 : vector<16xi32> to vector<16xi32>
    tpu.vector_store %arg11[%swap3A_115], %swap3A_118 {strides = array<i32>} : memref<1024xi32, #tpu.memory_space<vmem>>, vector<16xi32>,
    %broadcast_in_dim3A_119 = arith.constant 0 : i32
    %broadcast_in_dim3A_120 = vector.broadcast %broadcast_in_dim3A_119 : i32 to vector<16xi32>
    %swap3A_121 = arith.constant 816 : index
    %swap3A_122 = tpu.vector_load %arg10[%swap3A_121] {strides = array<i32>} : memref<1024xi32, #tpu.memory_space<vmem>>, vector<16xi32>,
    %swap3A_123 = vector.shape_cast %swap3A_122 : vector<16xi32> to vector<16xi32>
    %swap3A_124 = vector.shape_cast %broadcast_in_dim3A_120 : vector<16xi32> to vector<16xi32>
    tpu.vector_store %arg10[%swap3A_121], %swap3A_124 {strides = array<i32>} : memref<1024xi32, #tpu.memory_space<vmem>>, vector<16xi32>,
    %broadcast_in_dim3A_125 = arith.constant 100000 : i32
    %broadcast_in_dim3A_126 = vector.broadcast %broadcast_in_dim3A_125 : i32 to vector<16xi32>
    %swap3A_127 = arith.constant 816 : index
    %swap3A_128 = tpu.vector_load %arg11[%swap3A_127] {strides = array<i32>} : memref<1024xi32, #tpu.memory_space<vmem>>, vector<16xi32>,
    %swap3A_129 = vector.shape_cast %swap3A_128 : vector<16xi32> to vector<16xi32>
    %swap3A_130 = vector.shape_cast %broadcast_in_dim3A_126 : vector<16xi32> to vector<16xi32>
    tpu.vector_store %arg11[%swap3A_127], %swap3A_130 {strides = array<i32>} : memref<1024xi32, #tpu.memory_space<vmem>>, vector<16xi32>,
    %broadcast_in_dim3A_131 = arith.constant 0 : i32
    %broadcast_in_dim3A_132 = vector.broadcast %broadcast_in_dim3A_131 : i32 to vector<16xi32>
    %swap3A_133 = arith.constant 832 : index
    %swap3A_134 = tpu.vector_load %arg10[%swap3A_133] {strides = array<i32>} : memref<1024xi32, #tpu.memory_space<vmem>>, vector<16xi32>,
    %swap3A_135 = vector.shape_cast %swap3A_134 : vector<16xi32> to vector<16xi32>
    %swap3A_136 = vector.shape_cast %broadcast_in_dim3A_132 : vector<16xi32> to vector<16xi32>
    tpu.vector_store %arg10[%swap3A_133], %swap3A_136 {strides = array<i32>} : memref<1024xi32, #tpu.memory_space<vmem>>, vector<16xi32>,
    %broadcast_in_dim3A_137 = arith.constant 100000 : i32
    %broadcast_in_dim3A_138 = vector.broadcast %broadcast_in_dim3A_137 : i32 to vector<16xi32>
    %swap3A_139 = arith.constant 832 : index
    %swap3A_140 = tpu.vector_load %arg11[%swap3A_139] {strides = array<i32>} : memref<1024xi32, #tpu.memory_space<vmem>>, vector<16xi32>,
    %swap3A_141 = vector.shape_cast %swap3A_140 : vector<16xi32> to vector<16xi32>
    %swap3A_142 = vector.shape_cast %broadcast_in_dim3A_138 : vector<16xi32> to vector<16xi32>
    tpu.vector_store %arg11[%swap3A_139], %swap3A_142 {strides = array<i32>} : memref<1024xi32, #tpu.memory_space<vmem>>, vector<16xi32>,
    %broadcast_in_dim3A_143 = arith.constant 0 : i32
    %broadcast_in_dim3A_144 = vector.broadcast %broadcast_in_dim3A_143 : i32 to vector<16xi32>
    %swap3A_145 = arith.constant 848 : index
    %swap3A_146 = tpu.vector_load %arg10[%swap3A_145] {strides = array<i32>} : memref<1024xi32, #tpu.memory_space<vmem>>, vector<16xi32>,
    %swap3A_147 = vector.shape_cast %swap3A_146 : vector<16xi32> to vector<16xi32>
    %swap3A_148 = vector.shape_cast %broadcast_in_dim3A_144 : vector<16xi32> to vector<16xi32>
    tpu.vector_store %arg10[%swap3A_145], %swap3A_148 {strides = array<i32>} : memref<1024xi32, #tpu.memory_space<vmem>>, vector<16xi32>,
    %broadcast_in_dim3A_149 = arith.constant 100000 : i32
    %broadcast_in_dim3A_150 = vector.broadcast %broadcast_in_dim3A_149 : i32 to vector<16xi32>
    %swap3A_151 = arith.constant 848 : index
    %swap3A_152 = tpu.vector_load %arg11[%swap3A_151] {strides = array<i32>} : memref<1024xi32, #tpu.memory_space<vmem>>, vector<16xi32>,
    %swap3A_153 = vector.shape_cast %swap3A_152 : vector<16xi32> to vector<16xi32>
    %swap3A_154 = vector.shape_cast %broadcast_in_dim3A_150 : vector<16xi32> to vector<16xi32>
    tpu.vector_store %arg11[%swap3A_151], %swap3A_154 {strides = array<i32>} : memref<1024xi32, #tpu.memory_space<vmem>>, vector<16xi32>,
    %broadcast_in_dim3A_155 = arith.constant 0 : i32
    %broadcast_in_dim3A_156 = vector.broadcast %broadcast_in_dim3A_155 : i32 to vector<16xi32>
    %swap3A_157 = arith.constant 864 : index
    %swap3A_158 = tpu.vector_load %arg10[%swap3A_157] {strides = array<i32>} : memref<1024xi32, #tpu.memory_space<vmem>>, vector<16xi32>,
    %swap3A_159 = vector.shape_cast %swap3A_158 : vector<16xi32> to vector<16xi32>
    %swap3A_160 = vector.shape_cast %broadcast_in_dim3A_156 : vector<16xi32> to vector<16xi32>
    tpu.vector_store %arg10[%swap3A_157], %swap3A_160 {strides = array<i32>} : memref<1024xi32, #tpu.memory_space<vmem>>, vector<16xi32>,
    %broadcast_in_dim3A_161 = arith.constant 100000 : i32
    %broadcast_in_dim3A_162 = vector.broadcast %broadcast_in_dim3A_161 : i32 to vector<16xi32>
    %swap3A_163 = arith.constant 864 : index
    %swap3A_164 = tpu.vector_load %arg11[%swap3A_163] {strides = array<i32>} : memref<1024xi32, #tpu.memory_space<vmem>>, vector<16xi32>,
    %swap3A_165 = vector.shape_cast %swap3A_164 : vector<16xi32> to vector<16xi32>
    %swap3A_166 = vector.shape_cast %broadcast_in_dim3A_162 : vector<16xi32> to vector<16xi32>
    tpu.vector_store %arg11[%swap3A_163], %swap3A_166 {strides = array<i32>} : memref<1024xi32, #tpu.memory_space<vmem>>, vector<16xi32>,
    %broadcast_in_dim3A_167 = arith.constant 0 : i32
    %broadcast_in_dim3A_168 = vector.broadcast %broadcast_in_dim3A_167 : i32 to vector<16xi32>
    %swap3A_169 = arith.constant 880 : index
    %swap3A_170 = tpu.vector_load %arg10[%swap3A_169] {strides = array<i32>} : memref<1024xi32, #tpu.memory_space<vmem>>, vector<16xi32>,
    %swap3A_171 = vector.shape_cast %swap3A_170 : vector<16xi32> to vector<16xi32>
    %swap3A_172 = vector.shape_cast %broadcast_in_dim3A_168 : vector<16xi32> to vector<16xi32>
    tpu.vector_store %arg10[%swap3A_169], %swap3A_172 {strides = array<i32>} : memref<1024xi32, #tpu.memory_space<vmem>>, vector<16xi32>,
    %broadcast_in_dim3A_173 = arith.constant 100000 : i32
    %broadcast_in_dim3A_174 = vector.broadcast %broadcast_in_dim3A_173 : i32 to vector<16xi32>
    %swap3A_175 = arith.constant 880 : index
    %swap3A_176 = tpu.vector_load %arg11[%swap3A_175] {strides = array<i32>} : memref<1024xi32, #tpu.memory_space<vmem>>, vector<16xi32>,
    %swap3A_177 = vector.shape_cast %swap3A_176 : vector<16xi32> to vector<16xi32>
    %swap3A_178 = vector.shape_cast %broadcast_in_dim3A_174 : vector<16xi32> to vector<16xi32>
    tpu.vector_store %arg11[%swap3A_175], %swap3A_178 {strides = array<i32>} : memref<1024xi32, #tpu.memory_space<vmem>>, vector<16xi32>,
    %broadcast_in_dim3A_179 = arith.constant 0 : i32
    %broadcast_in_dim3A_180 = vector.broadcast %broadcast_in_dim3A_179 : i32 to vector<16xi32>
    %swap3A_181 = arith.constant 896 : index
    %swap3A_182 = tpu.vector_load %arg10[%swap3A_181] {strides = array<i32>} : memref<1024xi32, #tpu.memory_space<vmem>>, vector<16xi32>,
    %swap3A_183 = vector.shape_cast %swap3A_182 : vector<16xi32> to vector<16xi32>
    %swap3A_184 = vector.shape_cast %broadcast_in_dim3A_180 : vector<16xi32> to vector<16xi32>
    tpu.vector_store %arg10[%swap3A_181], %swap3A_184 {strides = array<i32>} : memref<1024xi32, #tpu.memory_space<vmem>>, vector<16xi32>,
    %broadcast_in_dim3A_185 = arith.constant 100000 : i32
    %broadcast_in_dim3A_186 = vector.broadcast %broadcast_in_dim3A_185 : i32 to vector<16xi32>
    %swap3A_187 = arith.constant 896 : index
    %swap3A_188 = tpu.vector_load %arg11[%swap3A_187] {strides = array<i32>} : memref<1024xi32, #tpu.memory_space<vmem>>, vector<16xi32>,
    %swap3A_189 = vector.shape_cast %swap3A_188 : vector<16xi32> to vector<16xi32>
    %swap3A_190 = vector.shape_cast %broadcast_in_dim3A_186 : vector<16xi32> to vector<16xi32>
    tpu.vector_store %arg11[%swap3A_187], %swap3A_190 {strides = array<i32>} : memref<1024xi32, #tpu.memory_space<vmem>>, vector<16xi32>,
    %broadcast_in_dim3A_191 = arith.constant 0 : i32
    %broadcast_in_dim3A_192 = vector.broadcast %broadcast_in_dim3A_191 : i32 to vector<16xi32>
    %swap3A_193 = arith.constant 912 : index
    %swap3A_194 = tpu.vector_load %arg10[%swap3A_193] {strides = array<i32>} : memref<1024xi32, #tpu.memory_space<vmem>>, vector<16xi32>,
    %swap3A_195 = vector.shape_cast %swap3A_194 : vector<16xi32> to vector<16xi32>
    %swap3A_196 = vector.shape_cast %broadcast_in_dim3A_192 : vector<16xi32> to vector<16xi32>
    tpu.vector_store %arg10[%swap3A_193], %swap3A_196 {strides = array<i32>} : memref<1024xi32, #tpu.memory_space<vmem>>, vector<16xi32>,
    %broadcast_in_dim3A_197 = arith.constant 100000 : i32
    %broadcast_in_dim3A_198 = vector.broadcast %broadcast_in_dim3A_197 : i32 to vector<16xi32>
    %swap3A_199 = arith.constant 912 : index
    %swap3A_200 = tpu.vector_load %arg11[%swap3A_199] {strides = array<i32>} : memref<1024xi32, #tpu.memory_space<vmem>>, vector<16xi32>,
    %swap3A_201 = vector.shape_cast %swap3A_200 : vector<16xi32> to vector<16xi32>
    %swap3A_202 = vector.shape_cast %broadcast_in_dim3A_198 : vector<16xi32> to vector<16xi32>
    tpu.vector_store %arg11[%swap3A_199], %swap3A_202 {strides = array<i32>} : memref<1024xi32, #tpu.memory_space<vmem>>, vector<16xi32>,
    %broadcast_in_dim3A_203 = arith.constant 0 : i32
    %broadcast_in_dim3A_204 = vector.broadcast %broadcast_in_dim3A_203 : i32 to vector<16xi32>
    %swap3A_205 = arith.constant 928 : index
    %swap3A_206 = tpu.vector_load %arg10[%swap3A_205] {strides = array<i32>} : memref<1024xi32, #tpu.memory_space<vmem>>, vector<16xi32>,
    %swap3A_207 = vector.shape_cast %swap3A_206 : vector<16xi32> to vector<16xi32>
    %swap3A_208 = vector.shape_cast %broadcast_in_dim3A_204 : vector<16xi32> to vector<16xi32>
    tpu.vector_store %arg10[%swap3A_205], %swap3A_208 {strides = array<i32>} : memref<1024xi32, #tpu.memory_space<vmem>>, vector<16xi32>,
    %broadcast_in_dim3A_209 = arith.constant 100000 : i32
    %broadcast_in_dim3A_210 = vector.broadcast %broadcast_in_dim3A_209 : i32 to vector<16xi32>
    %swap3A_211 = arith.constant 928 : index
    %swap3A_212 = tpu.vector_load %arg11[%swap3A_211] {strides = array<i32>} : memref<1024xi32, #tpu.memory_space<vmem>>, vector<16xi32>,
    %swap3A_213 = vector.shape_cast %swap3A_212 : vector<16xi32> to vector<16xi32>
    %swap3A_214 = vector.shape_cast %broadcast_in_dim3A_210 : vector<16xi32> to vector<16xi32>
    tpu.vector_store %arg11[%swap3A_211], %swap3A_214 {strides = array<i32>} : memref<1024xi32, #tpu.memory_space<vmem>>, vector<16xi32>,
    %broadcast_in_dim3A_215 = arith.constant 0 : i32
    %broadcast_in_dim3A_216 = vector.broadcast %broadcast_in_dim3A_215 : i32 to vector<16xi32>
    %swap3A_217 = arith.constant 944 : index
    %swap3A_218 = tpu.vector_load %arg10[%swap3A_217] {strides = array<i32>} : memref<1024xi32, #tpu.memory_space<vmem>>, vector<16xi32>,
    %swap3A_219 = vector.shape_cast %swap3A_218 : vector<16xi32> to vector<16xi32>
    %swap3A_220 = vector.shape_cast %broadcast_in_dim3A_216 : vector<16xi32> to vector<16xi32>
    tpu.vector_store %arg10[%swap3A_217], %swap3A_220 {strides = array<i32>} : memref<1024xi32, #tpu.memory_space<vmem>>, vector<16xi32>,
    %broadcast_in_dim3A_221 = arith.constant 100000 : i32
    %broadcast_in_dim3A_222 = vector.broadcast %broadcast_in_dim3A_221 : i32 to vector<16xi32>
    %swap3A_223 = arith.constant 944 : index
    %swap3A_224 = tpu.vector_load %arg11[%swap3A_223] {strides = array<i32>} : memref<1024xi32, #tpu.memory_space<vmem>>, vector<16xi32>,
    %swap3A_225 = vector.shape_cast %swap3A_224 : vector<16xi32> to vector<16xi32>
    %swap3A_226 = vector.shape_cast %broadcast_in_dim3A_222 : vector<16xi32> to vector<16xi32>
    tpu.vector_store %arg11[%swap3A_223], %swap3A_226 {strides = array<i32>} : memref<1024xi32, #tpu.memory_space<vmem>>, vector<16xi32>,
    %broadcast_in_dim3A_227 = arith.constant 0 : i32
    %broadcast_in_dim3A_228 = vector.broadcast %broadcast_in_dim3A_227 : i32 to vector<16xi32>
    %swap3A_229 = arith.constant 960 : index
    %swap3A_230 = tpu.vector_load %arg10[%swap3A_229] {strides = array<i32>} : memref<1024xi32, #tpu.memory_space<vmem>>, vector<16xi32>,
    %swap3A_231 = vector.shape_cast %swap3A_230 : vector<16xi32> to vector<16xi32>
    %swap3A_232 = vector.shape_cast %broadcast_in_dim3A_228 : vector<16xi32> to vector<16xi32>
    tpu.vector_store %arg10[%swap3A_229], %swap3A_232 {strides = array<i32>} : memref<1024xi32, #tpu.memory_space<vmem>>, vector<16xi32>,
    %broadcast_in_dim3A_233 = arith.constant 100000 : i32
    %broadcast_in_dim3A_234 = vector.broadcast %broadcast_in_dim3A_233 : i32 to vector<16xi32>
    %swap3A_235 = arith.constant 960 : index
    %swap3A_236 = tpu.vector_load %arg11[%swap3A_235] {strides = array<i32>} : memref<1024xi32, #tpu.memory_space<vmem>>, vector<16xi32>,
    %swap3A_237 = vector.shape_cast %swap3A_236 : vector<16xi32> to vector<16xi32>
    %swap3A_238 = vector.shape_cast %broadcast_in_dim3A_234 : vector<16xi32> to vector<16xi32>
    tpu.vector_store %arg11[%swap3A_235], %swap3A_238 {strides = array<i32>} : memref<1024xi32, #tpu.memory_space<vmem>>, vector<16xi32>,
    %broadcast_in_dim3A_239 = arith.constant 0 : i32
    %broadcast_in_dim3A_240 = vector.broadcast %broadcast_in_dim3A_239 : i32 to vector<16xi32>
    %swap3A_241 = arith.constant 976 : index
    %swap3A_242 = tpu.vector_load %arg10[%swap3A_241] {strides = array<i32>} : memref<1024xi32, #tpu.memory_space<vmem>>, vector<16xi32>,
    %swap3A_243 = vector.shape_cast %swap3A_242 : vector<16xi32> to vector<16xi32>
    %swap3A_244 = vector.shape_cast %broadcast_in_dim3A_240 : vector<16xi32> to vector<16xi32>
    tpu.vector_store %arg10[%swap3A_241], %swap3A_244 {strides = array<i32>} : memref<1024xi32, #tpu.memory_space<vmem>>, vector<16xi32>,
    %broadcast_in_dim3A_245 = arith.constant 100000 : i32
    %broadcast_in_dim3A_246 = vector.broadcast %broadcast_in_dim3A_245 : i32 to vector<16xi32>
    %swap3A_247 = arith.constant 976 : index
    %swap3A_248 = tpu.vector_load %arg11[%swap3A_247] {strides = array<i32>} : memref<1024xi32, #tpu.memory_space<vmem>>, vector<16xi32>,
    %swap3A_249 = vector.shape_cast %swap3A_248 : vector<16xi32> to vector<16xi32>
    %swap3A_250 = vector.shape_cast %broadcast_in_dim3A_246 : vector<16xi32> to vector<16xi32>
    tpu.vector_store %arg11[%swap3A_247], %swap3A_250 {strides = array<i32>} : memref<1024xi32, #tpu.memory_space<vmem>>, vector<16xi32>,
    %broadcast_in_dim3A_251 = arith.constant 0 : i32
    %broadcast_in_dim3A_252 = vector.broadcast %broadcast_in_dim3A_251 : i32 to vector<16xi32>
    %swap3A_253 = arith.constant 992 : index
    %swap3A_254 = tpu.vector_load %arg10[%swap3A_253] {strides = array<i32>} : memref<1024xi32, #tpu.memory_space<vmem>>, vector<16xi32>,
    %swap3A_255 = vector.shape_cast %swap3A_254 : vector<16xi32> to vector<16xi32>
    %swap3A_256 = vector.shape_cast %broadcast_in_dim3A_252 : vector<16xi32> to vector<16xi32>
    tpu.vector_store %arg10[%swap3A_253], %swap3A_256 {strides = array<i32>} : memref<1024xi32, #tpu.memory_space<vmem>>, vector<16xi32>,
    %broadcast_in_dim3A_257 = arith.constant 100000 : i32
    %broadcast_in_dim3A_258 = vector.broadcast %broadcast_in_dim3A_257 : i32 to vector<16xi32>
    %swap3A_259 = arith.constant 992 : index
    %swap3A_260 = tpu.vector_load %arg11[%swap3A_259] {strides = array<i32>} : memref<1024xi32, #tpu.memory_space<vmem>>, vector<16xi32>,
    %swap3A_261 = vector.shape_cast %swap3A_260 : vector<16xi32> to vector<16xi32>
    %swap3A_262 = vector.shape_cast %broadcast_in_dim3A_258 : vector<16xi32> to vector<16xi32>
    tpu.vector_store %arg11[%swap3A_259], %swap3A_262 {strides = array<i32>} : memref<1024xi32, #tpu.memory_space<vmem>>, vector<16xi32>,
    %broadcast_in_dim3A_263 = arith.constant 0 : i32
    %broadcast_in_dim3A_264 = vector.broadcast %broadcast_in_dim3A_263 : i32 to vector<16xi32>
    %swap3A_265 = arith.constant 1008 : index
    %swap3A_266 = tpu.vector_load %arg10[%swap3A_265] {strides = array<i32>} : memref<1024xi32, #tpu.memory_space<vmem>>, vector<16xi32>,
    %swap3A_267 = vector.shape_cast %swap3A_266 : vector<16xi32> to vector<16xi32>
    %swap3A_268 = vector.shape_cast %broadcast_in_dim3A_264 : vector<16xi32> to vector<16xi32>
    tpu.vector_store %arg10[%swap3A_265], %swap3A_268 {strides = array<i32>} : memref<1024xi32, #tpu.memory_space<vmem>>, vector<16xi32>,
    %broadcast_in_dim3A_269 = arith.constant 100000 : i32
    %broadcast_in_dim3A_270 = vector.broadcast %broadcast_in_dim3A_269 : i32 to vector<16xi32>
    %swap3A_271 = arith.constant 1008 : index
    %swap3A_272 = tpu.vector_load %arg11[%swap3A_271] {strides = array<i32>} : memref<1024xi32, #tpu.memory_space<vmem>>, vector<16xi32>,
    %swap3A_273 = vector.shape_cast %swap3A_272 : vector<16xi32> to vector<16xi32>
    %swap3A_274 = vector.shape_cast %broadcast_in_dim3A_270 : vector<16xi32> to vector<16xi32>
    tpu.vector_store %arg11[%swap3A_271], %swap3A_274 {strides = array<i32>} : memref<1024xi32, #tpu.memory_space<vmem>>, vector<16xi32>,
    %eq3A_275 = arith.constant 0 : i32
    %eq3A_276 = arith.cmpi eq, %arg0, %eq3A_275 : i32
    %convert_element_type3A_277 = arith.extui %eq3A_276 : i1 to i32
    %cond3A_278 = arith.constant 0 : i32
    %cond3A_279 = arith.cmpi ne, %convert_element_type3A_277, %cond3A_278 : i32
    scf.if %cond3A_279 {
      %dma_start3A = arith.constant 0 : i32
      %dma_start3A_296 = arith.constant 0 : i32
      %dma_start3A_297 = tpu.memref_slice %arg2[%dma_start3A, %dma_start3A_296] : memref<100000x16xf32, #tpu.memory_space<hbm>> -> memref<100000x16xf32, #tpu.memory_space<hbm>>
      tpu.enqueue_indirect_dma source(%dma_start3A_297 : memref<100000x16xf32, #tpu.memory_space<hbm>>) target(%arg12 : memref<1024x16xf32, #tpu.memory_space<vmem>>) offsets(%arg10 : memref<1024xi32, #tpu.memory_space<vmem>>) semaphore(%arg13 : memref<!tpu.dma_semaphore, #tpu.memory_space<semaphore_mem>>)
      %dma_wait3A = arith.constant 0 : i32
      %dma_wait3A_298 = arith.constant 0 : i32
      %dma_wait3A_299 = tpu.memref_slice %arg2[%dma_wait3A, %dma_wait3A_298] : memref<100000x16xf32, #tpu.memory_space<hbm>> -> memref<100000x16xf32, #tpu.memory_space<hbm>>
      tpu.wait_indirect_dma semaphore(%arg13 : memref<!tpu.dma_semaphore, #tpu.memory_space<semaphore_mem>>) src(%dma_wait3A_299 : memref<100000x16xf32, #tpu.memory_space<hbm>>) dst(%arg12 : memref<1024x16xf32, #tpu.memory_space<vmem>>)
    } else {
    }
    %eq3A_280 = arith.constant 1 : i32
    %eq3A_281 = arith.cmpi eq, %arg0, %eq3A_280 : i32
    %convert_element_type3A_282 = arith.extui %eq3A_281 : i1 to i32
    %cond3A_283 = arith.constant 0 : i32
    %cond3A_284 = arith.cmpi ne, %convert_element_type3A_282, %cond3A_283 : i32
    scf.if %cond3A_284 {
      %dma_start3A = arith.constant 0 : i32
      %dma_start3A_296 = arith.constant 0 : i32
      %dma_start3A_297 = tpu.memref_slice %arg3[%dma_start3A, %dma_start3A_296] : memref<100000x16xf32, #tpu.memory_space<hbm>> -> memref<100000x16xf32, #tpu.memory_space<hbm>>
      tpu.enqueue_indirect_dma source(%dma_start3A_297 : memref<100000x16xf32, #tpu.memory_space<hbm>>) target(%arg12 : memref<1024x16xf32, #tpu.memory_space<vmem>>) offsets(%arg10 : memref<1024xi32, #tpu.memory_space<vmem>>) semaphore(%arg13 : memref<!tpu.dma_semaphore, #tpu.memory_space<semaphore_mem>>)
      %dma_wait3A = arith.constant 0 : i32
      %dma_wait3A_298 = arith.constant 0 : i32
      %dma_wait3A_299 = tpu.memref_slice %arg3[%dma_wait3A, %dma_wait3A_298] : memref<100000x16xf32, #tpu.memory_space<hbm>> -> memref<100000x16xf32, #tpu.memory_space<hbm>>
      tpu.wait_indirect_dma semaphore(%arg13 : memref<!tpu.dma_semaphore, #tpu.memory_space<semaphore_mem>>) src(%dma_wait3A_299 : memref<100000x16xf32, #tpu.memory_space<hbm>>) dst(%arg12 : memref<1024x16xf32, #tpu.memory_space<vmem>>)
    } else {
    }
    "tpu.region"() ({
      %run_scoped3A = tpu.sem_alloc : memref<!tpu.dma_semaphore, #tpu.memory_space<semaphore_mem>>
      %dma_start3A = arith.constant 0 : i32
      %dma_start3A_296 = arith.constant 0 : i32
      %dma_start3A_297 = tpu.memref_slice %arg9[%dma_start3A, %dma_start3A_296] : memref<100008x16xf32, #tpu.memory_space<vmem_shared>> -> memref<100008x16xf32, #tpu.memory_space<vmem_shared>>
      tpu.enqueue_indirect_dma source(%arg12 : memref<1024x16xf32, #tpu.memory_space<vmem>>) target(%dma_start3A_297 : memref<100008x16xf32, #tpu.memory_space<vmem_shared>>) offsets(%arg11 : memref<1024xi32, #tpu.memory_space<vmem>>) semaphore(%run_scoped3A : memref<!tpu.dma_semaphore, #tpu.memory_space<semaphore_mem>>) {add = true}
      %dma_wait3A = arith.constant 0 : i32
      %dma_wait3A_298 = arith.constant 0 : i32
      %dma_wait3A_299 = tpu.memref_slice %arg9[%dma_wait3A, %dma_wait3A_298] : memref<100008x16xf32, #tpu.memory_space<vmem_shared>> -> memref<100008x16xf32, #tpu.memory_space<vmem_shared>>
      tpu.wait_indirect_dma semaphore(%run_scoped3A : memref<!tpu.dma_semaphore, #tpu.memory_space<semaphore_mem>>) src(%arg12 : memref<1024x16xf32, #tpu.memory_space<vmem>>) dst(%dma_wait3A_299 : memref<100008x16xf32, #tpu.memory_space<vmem_shared>>)
      tpu.yield
    }) : () -> ()
    %barrier3A_285 = arith.constant 0 : index
    tpu.barrier barrier_id(%barrier3A_285)
    %eq3A_286 = arith.constant 0 : i32
    %eq3A_287 = arith.cmpi eq, %arg0, %eq3A_286 : i32
    %convert_element_type3A_288 = arith.extui %eq3A_287 : i1 to i32
    %cond3A_289 = arith.constant 0 : i32
    %cond3A_290 = arith.cmpi ne, %convert_element_type3A_288, %cond3A_289 : i32
    scf.if %cond3A_290 {
      %lt3A_296 = arith.constant 15 : i32
      %lt3A_297 = arith.cmpi slt, %arg1, %lt3A_296 : i32
      %convert_element_type3A_298 = arith.extui %lt3A_297 : i1 to i32
      %cond3A_299 = arith.constant 0 : i32
      %cond3A_300 = arith.cmpi ne, %convert_element_type3A_298, %cond3A_299 : i32
      scf.if %cond3A_300 {
        %mul3A_306 = arith.constant 6256 : i32
        %mul3A_307 = arith.muli %arg1, %mul3A_306 : i32
        %mul3A_308 = arith.constant 6256 : i32
        %mul3A_309 = arith.muli %arg1, %mul3A_308 : i32
        "tpu.region"() ({
          %run_scoped3A = tpu.sem_alloc : memref<!tpu.dma_semaphore, #tpu.memory_space<semaphore_mem>>
          %dma_start3A = arith.constant 0 : i32
          %dma_start3A_310 = tpu.memref_slice %arg7[%mul3A_309, %dma_start3A] : memref<100000x16xf32, #tpu.memory_space<hbm>> -> memref<6256x16xf32, #tpu.memory_space<hbm>>
          %dma_start3A_311 = arith.constant 0 : i32
          %dma_start3A_312 = tpu.memref_slice %arg9[%mul3A_307, %dma_start3A_311] : memref<100008x16xf32, #tpu.memory_space<vmem_shared>> -> memref<6256x16xf32, #tpu.memory_space<vmem_shared>>
          tpu.enqueue_dma source(%dma_start3A_312 : memref<6256x16xf32, #tpu.memory_space<vmem_shared>>) target(%dma_start3A_310 : memref<6256x16xf32, #tpu.memory_space<hbm>>) target_semaphore(%run_scoped3A : memref<!tpu.dma_semaphore, #tpu.memory_space<semaphore_mem>>)
          %dma_wait3A = arith.constant 0 : i32
          %dma_wait3A_313 = tpu.memref_slice %arg7[%mul3A_309, %dma_wait3A] : memref<100000x16xf32, #tpu.memory_space<hbm>> -> memref<6256x16xf32, #tpu.memory_space<hbm>>
          %dma_wait3A_314 = arith.constant 0 : i32
          %dma_wait3A_315 = tpu.memref_slice %arg9[%mul3A_307, %dma_wait3A_314] : memref<100008x16xf32, #tpu.memory_space<vmem_shared>> -> memref<6256x16xf32, #tpu.memory_space<vmem_shared>>
          tpu.wait_dma2 semaphore(%run_scoped3A : memref<!tpu.dma_semaphore, #tpu.memory_space<semaphore_mem>>) src(%dma_wait3A_315 : memref<6256x16xf32, #tpu.memory_space<vmem_shared>>) dst(%dma_wait3A_313 : memref<6256x16xf32, #tpu.memory_space<hbm>>)
          tpu.yield
        }) : () -> ()
      } else {
      }
      %eq3A_301 = arith.constant 15 : i32
      %eq3A_302 = arith.cmpi eq, %arg1, %eq3A_301 : i32
      %convert_element_type3A_303 = arith.extui %eq3A_302 : i1 to i32
      %cond3A_304 = arith.constant 0 : i32
      %cond3A_305 = arith.cmpi ne, %convert_element_type3A_303, %cond3A_304 : i32
      scf.if %cond3A_305 {
        "tpu.region"() ({
          %run_scoped3A = tpu.sem_alloc : memref<!tpu.dma_semaphore, #tpu.memory_space<semaphore_mem>>
          %dma_start3A = arith.constant 93840 : i32
          %dma_start3A_306 = arith.constant 0 : i32
          %dma_start3A_307 = tpu.memref_slice %arg7[%dma_start3A, %dma_start3A_306] : memref<100000x16xf32, #tpu.memory_space<hbm>> -> memref<6160x16xf32, #tpu.memory_space<hbm>>
          %dma_start3A_308 = arith.constant 93840 : i32
          %dma_start3A_309 = arith.constant 0 : i32
          %dma_start3A_310 = tpu.memref_slice %arg9[%dma_start3A_308, %dma_start3A_309] : memref<100008x16xf32, #tpu.memory_space<vmem_shared>> -> memref<6160x16xf32, #tpu.memory_space<vmem_shared>>
          tpu.enqueue_dma source(%dma_start3A_310 : memref<6160x16xf32, #tpu.memory_space<vmem_shared>>) target(%dma_start3A_307 : memref<6160x16xf32, #tpu.memory_space<hbm>>) target_semaphore(%run_scoped3A : memref<!tpu.dma_semaphore, #tpu.memory_space<semaphore_mem>>)
          %dma_wait3A = arith.constant 93840 : i32
          %dma_wait3A_311 = arith.constant 0 : i32
          %dma_wait3A_312 = tpu.memref_slice %arg7[%dma_wait3A, %dma_wait3A_311] : memref<100000x16xf32, #tpu.memory_space<hbm>> -> memref<6160x16xf32, #tpu.memory_space<hbm>>
          %dma_wait3A_313 = arith.constant 93840 : i32
          %dma_wait3A_314 = arith.constant 0 : i32
          %dma_wait3A_315 = tpu.memref_slice %arg9[%dma_wait3A_313, %dma_wait3A_314] : memref<100008x16xf32, #tpu.memory_space<vmem_shared>> -> memref<6160x16xf32, #tpu.memory_space<vmem_shared>>
          tpu.wait_dma2 semaphore(%run_scoped3A : memref<!tpu.dma_semaphore, #tpu.memory_space<semaphore_mem>>) src(%dma_wait3A_315 : memref<6160x16xf32, #tpu.memory_space<vmem_shared>>) dst(%dma_wait3A_312 : memref<6160x16xf32, #tpu.memory_space<hbm>>)
          tpu.yield
        }) : () -> ()
      } else {
      }
    } else {
    }
    %eq3A_291 = arith.constant 1 : i32
    %eq3A_292 = arith.cmpi eq, %arg0, %eq3A_291 : i32
    %convert_element_type3A_293 = arith.extui %eq3A_292 : i1 to i32
    %cond3A_294 = arith.constant 0 : i32
    %cond3A_295 = arith.cmpi ne, %convert_element_type3A_293, %cond3A_294 : i32
    scf.if %cond3A_295 {
      %lt3A_296 = arith.constant 15 : i32
      %lt3A_297 = arith.cmpi slt, %arg1, %lt3A_296 : i32
      %convert_element_type3A_298 = arith.extui %lt3A_297 : i1 to i32
      %cond3A_299 = arith.constant 0 : i32
      %cond3A_300 = arith.cmpi ne, %convert_element_type3A_298, %cond3A_299 : i32
      scf.if %cond3A_300 {
        %mul3A_306 = arith.constant 6256 : i32
        %mul3A_307 = arith.muli %arg1, %mul3A_306 : i32
        %mul3A_308 = arith.constant 6256 : i32
        %mul3A_309 = arith.muli %arg1, %mul3A_308 : i32
        "tpu.region"() ({
          %run_scoped3A = tpu.sem_alloc : memref<!tpu.dma_semaphore, #tpu.memory_space<semaphore_mem>>
          %dma_start3A = arith.constant 0 : i32
          %dma_start3A_310 = tpu.memref_slice %arg8[%mul3A_309, %dma_start3A] : memref<100000x16xf32, #tpu.memory_space<hbm>> -> memref<6256x16xf32, #tpu.memory_space<hbm>>
          %dma_start3A_311 = arith.constant 0 : i32
          %dma_start3A_312 = tpu.memref_slice %arg9[%mul3A_307, %dma_start3A_311] : memref<100008x16xf32, #tpu.memory_space<vmem_shared>> -> memref<6256x16xf32, #tpu.memory_space<vmem_shared>>
          tpu.enqueue_dma source(%dma_start3A_312 : memref<6256x16xf32, #tpu.memory_space<vmem_shared>>) target(%dma_start3A_310 : memref<6256x16xf32, #tpu.memory_space<hbm>>) target_semaphore(%run_scoped3A : memref<!tpu.dma_semaphore, #tpu.memory_space<semaphore_mem>>)
          %dma_wait3A = arith.constant 0 : i32
          %dma_wait3A_313 = tpu.memref_slice %arg8[%mul3A_309, %dma_wait3A] : memref<100000x16xf32, #tpu.memory_space<hbm>> -> memref<6256x16xf32, #tpu.memory_space<hbm>>
          %dma_wait3A_314 = arith.constant 0 : i32
          %dma_wait3A_315 = tpu.memref_slice %arg9[%mul3A_307, %dma_wait3A_314] : memref<100008x16xf32, #tpu.memory_space<vmem_shared>> -> memref<6256x16xf32, #tpu.memory_space<vmem_shared>>
          tpu.wait_dma2 semaphore(%run_scoped3A : memref<!tpu.dma_semaphore, #tpu.memory_space<semaphore_mem>>) src(%dma_wait3A_315 : memref<6256x16xf32, #tpu.memory_space<vmem_shared>>) dst(%dma_wait3A_313 : memref<6256x16xf32, #tpu.memory_space<hbm>>)
          tpu.yield
        }) : () -> ()
      } else {
      }
      %eq3A_301 = arith.constant 15 : i32
      %eq3A_302 = arith.cmpi eq, %arg1, %eq3A_301 : i32
      %convert_element_type3A_303 = arith.extui %eq3A_302 : i1 to i32
      %cond3A_304 = arith.constant 0 : i32
      %cond3A_305 = arith.cmpi ne, %convert_element_type3A_303, %cond3A_304 : i32
      scf.if %cond3A_305 {
        "tpu.region"() ({
          %run_scoped3A = tpu.sem_alloc : memref<!tpu.dma_semaphore, #tpu.memory_space<semaphore_mem>>
          %dma_start3A = arith.constant 93840 : i32
          %dma_start3A_306 = arith.constant 0 : i32
          %dma_start3A_307 = tpu.memref_slice %arg8[%dma_start3A, %dma_start3A_306] : memref<100000x16xf32, #tpu.memory_space<hbm>> -> memref<6160x16xf32, #tpu.memory_space<hbm>>
          %dma_start3A_308 = arith.constant 93840 : i32
          %dma_start3A_309 = arith.constant 0 : i32
          %dma_start3A_310 = tpu.memref_slice %arg9[%dma_start3A_308, %dma_start3A_309] : memref<100008x16xf32, #tpu.memory_space<vmem_shared>> -> memref<6160x16xf32, #tpu.memory_space<vmem_shared>>
          tpu.enqueue_dma source(%dma_start3A_310 : memref<6160x16xf32, #tpu.memory_space<vmem_shared>>) target(%dma_start3A_307 : memref<6160x16xf32, #tpu.memory_space<hbm>>) target_semaphore(%run_scoped3A : memref<!tpu.dma_semaphore, #tpu.memory_space<semaphore_mem>>)
          %dma_wait3A = arith.constant 93840 : i32
          %dma_wait3A_311 = arith.constant 0 : i32
          %dma_wait3A_312 = tpu.memref_slice %arg8[%dma_wait3A, %dma_wait3A_311] : memref<100000x16xf32, #tpu.memory_space<hbm>> -> memref<6160x16xf32, #tpu.memory_space<hbm>>
          %dma_wait3A_313 = arith.constant 93840 : i32
          %dma_wait3A_314 = arith.constant 0 : i32
          %dma_wait3A_315 = tpu.memref_slice %arg9[%dma_wait3A_313, %dma_wait3A_314] : memref<100008x16xf32, #tpu.memory_space<vmem_shared>> -> memref<6160x16xf32, #tpu.memory_space<vmem_shared>>
          tpu.wait_dma2 semaphore(%run_scoped3A : memref<!tpu.dma_semaphore, #tpu.memory_space<semaphore_mem>>) src(%dma_wait3A_315 : memref<6160x16xf32, #tpu.memory_space<vmem_shared>>) dst(%dma_wait3A_312 : memref<6160x16xf32, #tpu.memory_space<hbm>>)
          tpu.yield
        }) : () -> ()
      } else {
      }
    } else {
    }
    return
  }
}

#map = affine_map<(d0, d1) -> (0)>
#map1 = affine_map<(d0, d1) -> (0, 0)>
module attributes {stable_mosaic.version = 14 : i64} {
  func.func @_deg_body(%arg0: i32, %arg1: i32, %arg2: memref<1600000xi32, #tpu.memory_space<hbm>>, %arg3: memref<100352xf32, #tpu.memory_space<hbm>>, %arg4: memref<2x100352xf32, #tpu.memory_space<hbm>>, %arg5: memref<100352xf32, #tpu.memory_space<vmem_shared>>, %arg6: memref<1024xi32, #tpu.memory_space<vmem>>, %arg7: memref<1024xf32, #tpu.memory_space<vmem>>, %arg8: memref<!tpu.dma_semaphore, #tpu.memory_space<semaphore_mem>>) attributes {dimension_semantics = [#tpu.dimension_semantics<core_parallel>, #tpu.dimension_semantics<subcore_parallel>], iteration_bounds = array<i64: 2, 16>, scalar_prefetch = 0 : i64, scratch_operands = 4 : i64, tpu.core_type = #tpu.core_type<sc_vector_subcore>, window_params = [{transform_indices = #map}, {transform_indices = #map}, {transform_indices = #map1}]} {
    %mul3A = arith.constant 6272 : i32
    %mul3A_0 = arith.muli %arg1, %mul3A : i32
    %mul3A_1 = arith.constant 6272 : i32
    %mul3A_2 = arith.muli %arg1, %mul3A_1 : i32
    "tpu.region"() ({
      %run_scoped3A = tpu.sem_alloc : memref<!tpu.dma_semaphore, #tpu.memory_space<semaphore_mem>>
      %dma_start3A = tpu.memref_slice %arg5[%mul3A_2] : memref<100352xf32, #tpu.memory_space<vmem_shared>> -> memref<6272xf32, #tpu.memory_space<vmem_shared>>
      %dma_start3A_467 = tpu.memref_slice %arg3[%mul3A_0] : memref<100352xf32, #tpu.memory_space<hbm>> -> memref<6272xf32, #tpu.memory_space<hbm>>
      tpu.enqueue_dma source(%dma_start3A_467 : memref<6272xf32, #tpu.memory_space<hbm>>) target(%dma_start3A : memref<6272xf32, #tpu.memory_space<vmem_shared>>) target_semaphore(%run_scoped3A : memref<!tpu.dma_semaphore, #tpu.memory_space<semaphore_mem>>)
      %dma_wait3A = tpu.memref_slice %arg5[%mul3A_2] : memref<100352xf32, #tpu.memory_space<vmem_shared>> -> memref<6272xf32, #tpu.memory_space<vmem_shared>>
      %dma_wait3A_468 = tpu.memref_slice %arg3[%mul3A_0] : memref<100352xf32, #tpu.memory_space<hbm>> -> memref<6272xf32, #tpu.memory_space<hbm>>
      tpu.wait_dma2 semaphore(%run_scoped3A : memref<!tpu.dma_semaphore, #tpu.memory_space<semaphore_mem>>) src(%dma_wait3A_468 : memref<6272xf32, #tpu.memory_space<hbm>>) dst(%dma_wait3A : memref<6272xf32, #tpu.memory_space<vmem_shared>>)
      tpu.yield
    }) : () -> ()
    %broadcast_in_dim3A = arith.constant 1.000000e+00 : f32
    %broadcast_in_dim3A_3 = vector.broadcast %broadcast_in_dim3A : f32 to vector<16xf32>
    %swap3A = arith.constant 0 : index
    %swap3A_4 = tpu.vector_load %arg7[%swap3A] {strides = array<i32>} : memref<1024xf32, #tpu.memory_space<vmem>>, vector<16xf32>,
    %swap3A_5 = vector.shape_cast %swap3A_4 : vector<16xf32> to vector<16xf32>
    %swap3A_6 = vector.shape_cast %broadcast_in_dim3A_3 : vector<16xf32> to vector<16xf32>
    tpu.vector_store %arg7[%swap3A], %swap3A_6 {strides = array<i32>} : memref<1024xf32, #tpu.memory_space<vmem>>, vector<16xf32>,
    %broadcast_in_dim3A_7 = arith.constant 1.000000e+00 : f32
    %broadcast_in_dim3A_8 = vector.broadcast %broadcast_in_dim3A_7 : f32 to vector<16xf32>
    %swap3A_9 = arith.constant 16 : index
    %swap3A_10 = tpu.vector_load %arg7[%swap3A_9] {strides = array<i32>} : memref<1024xf32, #tpu.memory_space<vmem>>, vector<16xf32>,
    %swap3A_11 = vector.shape_cast %swap3A_10 : vector<16xf32> to vector<16xf32>
    %swap3A_12 = vector.shape_cast %broadcast_in_dim3A_8 : vector<16xf32> to vector<16xf32>
    tpu.vector_store %arg7[%swap3A_9], %swap3A_12 {strides = array<i32>} : memref<1024xf32, #tpu.memory_space<vmem>>, vector<16xf32>,
    %broadcast_in_dim3A_13 = arith.constant 1.000000e+00 : f32
    %broadcast_in_dim3A_14 = vector.broadcast %broadcast_in_dim3A_13 : f32 to vector<16xf32>
    %swap3A_15 = arith.constant 32 : index
    %swap3A_16 = tpu.vector_load %arg7[%swap3A_15] {strides = array<i32>} : memref<1024xf32, #tpu.memory_space<vmem>>, vector<16xf32>,
    %swap3A_17 = vector.shape_cast %swap3A_16 : vector<16xf32> to vector<16xf32>
    %swap3A_18 = vector.shape_cast %broadcast_in_dim3A_14 : vector<16xf32> to vector<16xf32>
    tpu.vector_store %arg7[%swap3A_15], %swap3A_18 {strides = array<i32>} : memref<1024xf32, #tpu.memory_space<vmem>>, vector<16xf32>,
    %broadcast_in_dim3A_19 = arith.constant 1.000000e+00 : f32
    %broadcast_in_dim3A_20 = vector.broadcast %broadcast_in_dim3A_19 : f32 to vector<16xf32>
    %swap3A_21 = arith.constant 48 : index
    %swap3A_22 = tpu.vector_load %arg7[%swap3A_21] {strides = array<i32>} : memref<1024xf32, #tpu.memory_space<vmem>>, vector<16xf32>,
    %swap3A_23 = vector.shape_cast %swap3A_22 : vector<16xf32> to vector<16xf32>
    %swap3A_24 = vector.shape_cast %broadcast_in_dim3A_20 : vector<16xf32> to vector<16xf32>
    tpu.vector_store %arg7[%swap3A_21], %swap3A_24 {strides = array<i32>} : memref<1024xf32, #tpu.memory_space<vmem>>, vector<16xf32>,
    %broadcast_in_dim3A_25 = arith.constant 1.000000e+00 : f32
    %broadcast_in_dim3A_26 = vector.broadcast %broadcast_in_dim3A_25 : f32 to vector<16xf32>
    %swap3A_27 = arith.constant 64 : index
    %swap3A_28 = tpu.vector_load %arg7[%swap3A_27] {strides = array<i32>} : memref<1024xf32, #tpu.memory_space<vmem>>, vector<16xf32>,
    %swap3A_29 = vector.shape_cast %swap3A_28 : vector<16xf32> to vector<16xf32>
    %swap3A_30 = vector.shape_cast %broadcast_in_dim3A_26 : vector<16xf32> to vector<16xf32>
    tpu.vector_store %arg7[%swap3A_27], %swap3A_30 {strides = array<i32>} : memref<1024xf32, #tpu.memory_space<vmem>>, vector<16xf32>,
    %broadcast_in_dim3A_31 = arith.constant 1.000000e+00 : f32
    %broadcast_in_dim3A_32 = vector.broadcast %broadcast_in_dim3A_31 : f32 to vector<16xf32>
    %swap3A_33 = arith.constant 80 : index
    %swap3A_34 = tpu.vector_load %arg7[%swap3A_33] {strides = array<i32>} : memref<1024xf32, #tpu.memory_space<vmem>>, vector<16xf32>,
    %swap3A_35 = vector.shape_cast %swap3A_34 : vector<16xf32> to vector<16xf32>
    %swap3A_36 = vector.shape_cast %broadcast_in_dim3A_32 : vector<16xf32> to vector<16xf32>
    tpu.vector_store %arg7[%swap3A_33], %swap3A_36 {strides = array<i32>} : memref<1024xf32, #tpu.memory_space<vmem>>, vector<16xf32>,
    %broadcast_in_dim3A_37 = arith.constant 1.000000e+00 : f32
    %broadcast_in_dim3A_38 = vector.broadcast %broadcast_in_dim3A_37 : f32 to vector<16xf32>
    %swap3A_39 = arith.constant 96 : index
    %swap3A_40 = tpu.vector_load %arg7[%swap3A_39] {strides = array<i32>} : memref<1024xf32, #tpu.memory_space<vmem>>, vector<16xf32>,
    %swap3A_41 = vector.shape_cast %swap3A_40 : vector<16xf32> to vector<16xf32>
    %swap3A_42 = vector.shape_cast %broadcast_in_dim3A_38 : vector<16xf32> to vector<16xf32>
    tpu.vector_store %arg7[%swap3A_39], %swap3A_42 {strides = array<i32>} : memref<1024xf32, #tpu.memory_space<vmem>>, vector<16xf32>,
    %broadcast_in_dim3A_43 = arith.constant 1.000000e+00 : f32
    %broadcast_in_dim3A_44 = vector.broadcast %broadcast_in_dim3A_43 : f32 to vector<16xf32>
    %swap3A_45 = arith.constant 112 : index
    %swap3A_46 = tpu.vector_load %arg7[%swap3A_45] {strides = array<i32>} : memref<1024xf32, #tpu.memory_space<vmem>>, vector<16xf32>,
    %swap3A_47 = vector.shape_cast %swap3A_46 : vector<16xf32> to vector<16xf32>
    %swap3A_48 = vector.shape_cast %broadcast_in_dim3A_44 : vector<16xf32> to vector<16xf32>
    tpu.vector_store %arg7[%swap3A_45], %swap3A_48 {strides = array<i32>} : memref<1024xf32, #tpu.memory_space<vmem>>, vector<16xf32>,
    %broadcast_in_dim3A_49 = arith.constant 1.000000e+00 : f32
    %broadcast_in_dim3A_50 = vector.broadcast %broadcast_in_dim3A_49 : f32 to vector<16xf32>
    %swap3A_51 = arith.constant 128 : index
    %swap3A_52 = tpu.vector_load %arg7[%swap3A_51] {strides = array<i32>} : memref<1024xf32, #tpu.memory_space<vmem>>, vector<16xf32>,
    %swap3A_53 = vector.shape_cast %swap3A_52 : vector<16xf32> to vector<16xf32>
    %swap3A_54 = vector.shape_cast %broadcast_in_dim3A_50 : vector<16xf32> to vector<16xf32>
    tpu.vector_store %arg7[%swap3A_51], %swap3A_54 {strides = array<i32>} : memref<1024xf32, #tpu.memory_space<vmem>>, vector<16xf32>,
    %broadcast_in_dim3A_55 = arith.constant 1.000000e+00 : f32
    %broadcast_in_dim3A_56 = vector.broadcast %broadcast_in_dim3A_55 : f32 to vector<16xf32>
    %swap3A_57 = arith.constant 144 : index
    %swap3A_58 = tpu.vector_load %arg7[%swap3A_57] {strides = array<i32>} : memref<1024xf32, #tpu.memory_space<vmem>>, vector<16xf32>,
    %swap3A_59 = vector.shape_cast %swap3A_58 : vector<16xf32> to vector<16xf32>
    %swap3A_60 = vector.shape_cast %broadcast_in_dim3A_56 : vector<16xf32> to vector<16xf32>
    tpu.vector_store %arg7[%swap3A_57], %swap3A_60 {strides = array<i32>} : memref<1024xf32, #tpu.memory_space<vmem>>, vector<16xf32>,
    %broadcast_in_dim3A_61 = arith.constant 1.000000e+00 : f32
    %broadcast_in_dim3A_62 = vector.broadcast %broadcast_in_dim3A_61 : f32 to vector<16xf32>
    %swap3A_63 = arith.constant 160 : index
    %swap3A_64 = tpu.vector_load %arg7[%swap3A_63] {strides = array<i32>} : memref<1024xf32, #tpu.memory_space<vmem>>, vector<16xf32>,
    %swap3A_65 = vector.shape_cast %swap3A_64 : vector<16xf32> to vector<16xf32>
    %swap3A_66 = vector.shape_cast %broadcast_in_dim3A_62 : vector<16xf32> to vector<16xf32>
    tpu.vector_store %arg7[%swap3A_63], %swap3A_66 {strides = array<i32>} : memref<1024xf32, #tpu.memory_space<vmem>>, vector<16xf32>,
    %broadcast_in_dim3A_67 = arith.constant 1.000000e+00 : f32
    %broadcast_in_dim3A_68 = vector.broadcast %broadcast_in_dim3A_67 : f32 to vector<16xf32>
    %swap3A_69 = arith.constant 176 : index
    %swap3A_70 = tpu.vector_load %arg7[%swap3A_69] {strides = array<i32>} : memref<1024xf32, #tpu.memory_space<vmem>>, vector<16xf32>,
    %swap3A_71 = vector.shape_cast %swap3A_70 : vector<16xf32> to vector<16xf32>
    %swap3A_72 = vector.shape_cast %broadcast_in_dim3A_68 : vector<16xf32> to vector<16xf32>
    tpu.vector_store %arg7[%swap3A_69], %swap3A_72 {strides = array<i32>} : memref<1024xf32, #tpu.memory_space<vmem>>, vector<16xf32>,
    %broadcast_in_dim3A_73 = arith.constant 1.000000e+00 : f32
    %broadcast_in_dim3A_74 = vector.broadcast %broadcast_in_dim3A_73 : f32 to vector<16xf32>
    %swap3A_75 = arith.constant 192 : index
    %swap3A_76 = tpu.vector_load %arg7[%swap3A_75] {strides = array<i32>} : memref<1024xf32, #tpu.memory_space<vmem>>, vector<16xf32>,
    %swap3A_77 = vector.shape_cast %swap3A_76 : vector<16xf32> to vector<16xf32>
    %swap3A_78 = vector.shape_cast %broadcast_in_dim3A_74 : vector<16xf32> to vector<16xf32>
    tpu.vector_store %arg7[%swap3A_75], %swap3A_78 {strides = array<i32>} : memref<1024xf32, #tpu.memory_space<vmem>>, vector<16xf32>,
    %broadcast_in_dim3A_79 = arith.constant 1.000000e+00 : f32
    %broadcast_in_dim3A_80 = vector.broadcast %broadcast_in_dim3A_79 : f32 to vector<16xf32>
    %swap3A_81 = arith.constant 208 : index
    %swap3A_82 = tpu.vector_load %arg7[%swap3A_81] {strides = array<i32>} : memref<1024xf32, #tpu.memory_space<vmem>>, vector<16xf32>,
    %swap3A_83 = vector.shape_cast %swap3A_82 : vector<16xf32> to vector<16xf32>
    %swap3A_84 = vector.shape_cast %broadcast_in_dim3A_80 : vector<16xf32> to vector<16xf32>
    tpu.vector_store %arg7[%swap3A_81], %swap3A_84 {strides = array<i32>} : memref<1024xf32, #tpu.memory_space<vmem>>, vector<16xf32>,
    %broadcast_in_dim3A_85 = arith.constant 1.000000e+00 : f32
    %broadcast_in_dim3A_86 = vector.broadcast %broadcast_in_dim3A_85 : f32 to vector<16xf32>
    %swap3A_87 = arith.constant 224 : index
    %swap3A_88 = tpu.vector_load %arg7[%swap3A_87] {strides = array<i32>} : memref<1024xf32, #tpu.memory_space<vmem>>, vector<16xf32>,
    %swap3A_89 = vector.shape_cast %swap3A_88 : vector<16xf32> to vector<16xf32>
    %swap3A_90 = vector.shape_cast %broadcast_in_dim3A_86 : vector<16xf32> to vector<16xf32>
    tpu.vector_store %arg7[%swap3A_87], %swap3A_90 {strides = array<i32>} : memref<1024xf32, #tpu.memory_space<vmem>>, vector<16xf32>,
    %broadcast_in_dim3A_91 = arith.constant 1.000000e+00 : f32
    %broadcast_in_dim3A_92 = vector.broadcast %broadcast_in_dim3A_91 : f32 to vector<16xf32>
    %swap3A_93 = arith.constant 240 : index
    %swap3A_94 = tpu.vector_load %arg7[%swap3A_93] {strides = array<i32>} : memref<1024xf32, #tpu.memory_space<vmem>>, vector<16xf32>,
    %swap3A_95 = vector.shape_cast %swap3A_94 : vector<16xf32> to vector<16xf32>
    %swap3A_96 = vector.shape_cast %broadcast_in_dim3A_92 : vector<16xf32> to vector<16xf32>
    tpu.vector_store %arg7[%swap3A_93], %swap3A_96 {strides = array<i32>} : memref<1024xf32, #tpu.memory_space<vmem>>, vector<16xf32>,
    %broadcast_in_dim3A_97 = arith.constant 1.000000e+00 : f32
    %broadcast_in_dim3A_98 = vector.broadcast %broadcast_in_dim3A_97 : f32 to vector<16xf32>
    %swap3A_99 = arith.constant 256 : index
    %swap3A_100 = tpu.vector_load %arg7[%swap3A_99] {strides = array<i32>} : memref<1024xf32, #tpu.memory_space<vmem>>, vector<16xf32>,
    %swap3A_101 = vector.shape_cast %swap3A_100 : vector<16xf32> to vector<16xf32>
    %swap3A_102 = vector.shape_cast %broadcast_in_dim3A_98 : vector<16xf32> to vector<16xf32>
    tpu.vector_store %arg7[%swap3A_99], %swap3A_102 {strides = array<i32>} : memref<1024xf32, #tpu.memory_space<vmem>>, vector<16xf32>,
    %broadcast_in_dim3A_103 = arith.constant 1.000000e+00 : f32
    %broadcast_in_dim3A_104 = vector.broadcast %broadcast_in_dim3A_103 : f32 to vector<16xf32>
    %swap3A_105 = arith.constant 272 : index
    %swap3A_106 = tpu.vector_load %arg7[%swap3A_105] {strides = array<i32>} : memref<1024xf32, #tpu.memory_space<vmem>>, vector<16xf32>,
    %swap3A_107 = vector.shape_cast %swap3A_106 : vector<16xf32> to vector<16xf32>
    %swap3A_108 = vector.shape_cast %broadcast_in_dim3A_104 : vector<16xf32> to vector<16xf32>
    tpu.vector_store %arg7[%swap3A_105], %swap3A_108 {strides = array<i32>} : memref<1024xf32, #tpu.memory_space<vmem>>, vector<16xf32>,
    %broadcast_in_dim3A_109 = arith.constant 1.000000e+00 : f32
    %broadcast_in_dim3A_110 = vector.broadcast %broadcast_in_dim3A_109 : f32 to vector<16xf32>
    %swap3A_111 = arith.constant 288 : index
    %swap3A_112 = tpu.vector_load %arg7[%swap3A_111] {strides = array<i32>} : memref<1024xf32, #tpu.memory_space<vmem>>, vector<16xf32>,
    %swap3A_113 = vector.shape_cast %swap3A_112 : vector<16xf32> to vector<16xf32>
    %swap3A_114 = vector.shape_cast %broadcast_in_dim3A_110 : vector<16xf32> to vector<16xf32>
    tpu.vector_store %arg7[%swap3A_111], %swap3A_114 {strides = array<i32>} : memref<1024xf32, #tpu.memory_space<vmem>>, vector<16xf32>,
    %broadcast_in_dim3A_115 = arith.constant 1.000000e+00 : f32
    %broadcast_in_dim3A_116 = vector.broadcast %broadcast_in_dim3A_115 : f32 to vector<16xf32>
    %swap3A_117 = arith.constant 304 : index
    %swap3A_118 = tpu.vector_load %arg7[%swap3A_117] {strides = array<i32>} : memref<1024xf32, #tpu.memory_space<vmem>>, vector<16xf32>,
    %swap3A_119 = vector.shape_cast %swap3A_118 : vector<16xf32> to vector<16xf32>
    %swap3A_120 = vector.shape_cast %broadcast_in_dim3A_116 : vector<16xf32> to vector<16xf32>
    tpu.vector_store %arg7[%swap3A_117], %swap3A_120 {strides = array<i32>} : memref<1024xf32, #tpu.memory_space<vmem>>, vector<16xf32>,
    %broadcast_in_dim3A_121 = arith.constant 1.000000e+00 : f32
    %broadcast_in_dim3A_122 = vector.broadcast %broadcast_in_dim3A_121 : f32 to vector<16xf32>
    %swap3A_123 = arith.constant 320 : index
    %swap3A_124 = tpu.vector_load %arg7[%swap3A_123] {strides = array<i32>} : memref<1024xf32, #tpu.memory_space<vmem>>, vector<16xf32>,
    %swap3A_125 = vector.shape_cast %swap3A_124 : vector<16xf32> to vector<16xf32>
    %swap3A_126 = vector.shape_cast %broadcast_in_dim3A_122 : vector<16xf32> to vector<16xf32>
    tpu.vector_store %arg7[%swap3A_123], %swap3A_126 {strides = array<i32>} : memref<1024xf32, #tpu.memory_space<vmem>>, vector<16xf32>,
    %broadcast_in_dim3A_127 = arith.constant 1.000000e+00 : f32
    %broadcast_in_dim3A_128 = vector.broadcast %broadcast_in_dim3A_127 : f32 to vector<16xf32>
    %swap3A_129 = arith.constant 336 : index
    %swap3A_130 = tpu.vector_load %arg7[%swap3A_129] {strides = array<i32>} : memref<1024xf32, #tpu.memory_space<vmem>>, vector<16xf32>,
    %swap3A_131 = vector.shape_cast %swap3A_130 : vector<16xf32> to vector<16xf32>
    %swap3A_132 = vector.shape_cast %broadcast_in_dim3A_128 : vector<16xf32> to vector<16xf32>
    tpu.vector_store %arg7[%swap3A_129], %swap3A_132 {strides = array<i32>} : memref<1024xf32, #tpu.memory_space<vmem>>, vector<16xf32>,
    %broadcast_in_dim3A_133 = arith.constant 1.000000e+00 : f32
    %broadcast_in_dim3A_134 = vector.broadcast %broadcast_in_dim3A_133 : f32 to vector<16xf32>
    %swap3A_135 = arith.constant 352 : index
    %swap3A_136 = tpu.vector_load %arg7[%swap3A_135] {strides = array<i32>} : memref<1024xf32, #tpu.memory_space<vmem>>, vector<16xf32>,
    %swap3A_137 = vector.shape_cast %swap3A_136 : vector<16xf32> to vector<16xf32>
    %swap3A_138 = vector.shape_cast %broadcast_in_dim3A_134 : vector<16xf32> to vector<16xf32>
    tpu.vector_store %arg7[%swap3A_135], %swap3A_138 {strides = array<i32>} : memref<1024xf32, #tpu.memory_space<vmem>>, vector<16xf32>,
    %broadcast_in_dim3A_139 = arith.constant 1.000000e+00 : f32
    %broadcast_in_dim3A_140 = vector.broadcast %broadcast_in_dim3A_139 : f32 to vector<16xf32>
    %swap3A_141 = arith.constant 368 : index
    %swap3A_142 = tpu.vector_load %arg7[%swap3A_141] {strides = array<i32>} : memref<1024xf32, #tpu.memory_space<vmem>>, vector<16xf32>,
    %swap3A_143 = vector.shape_cast %swap3A_142 : vector<16xf32> to vector<16xf32>
    %swap3A_144 = vector.shape_cast %broadcast_in_dim3A_140 : vector<16xf32> to vector<16xf32>
    tpu.vector_store %arg7[%swap3A_141], %swap3A_144 {strides = array<i32>} : memref<1024xf32, #tpu.memory_space<vmem>>, vector<16xf32>,
    %broadcast_in_dim3A_145 = arith.constant 1.000000e+00 : f32
    %broadcast_in_dim3A_146 = vector.broadcast %broadcast_in_dim3A_145 : f32 to vector<16xf32>
    %swap3A_147 = arith.constant 384 : index
    %swap3A_148 = tpu.vector_load %arg7[%swap3A_147] {strides = array<i32>} : memref<1024xf32, #tpu.memory_space<vmem>>, vector<16xf32>,
    %swap3A_149 = vector.shape_cast %swap3A_148 : vector<16xf32> to vector<16xf32>
    %swap3A_150 = vector.shape_cast %broadcast_in_dim3A_146 : vector<16xf32> to vector<16xf32>
    tpu.vector_store %arg7[%swap3A_147], %swap3A_150 {strides = array<i32>} : memref<1024xf32, #tpu.memory_space<vmem>>, vector<16xf32>,
    %broadcast_in_dim3A_151 = arith.constant 1.000000e+00 : f32
    %broadcast_in_dim3A_152 = vector.broadcast %broadcast_in_dim3A_151 : f32 to vector<16xf32>
    %swap3A_153 = arith.constant 400 : index
    %swap3A_154 = tpu.vector_load %arg7[%swap3A_153] {strides = array<i32>} : memref<1024xf32, #tpu.memory_space<vmem>>, vector<16xf32>,
    %swap3A_155 = vector.shape_cast %swap3A_154 : vector<16xf32> to vector<16xf32>
    %swap3A_156 = vector.shape_cast %broadcast_in_dim3A_152 : vector<16xf32> to vector<16xf32>
    tpu.vector_store %arg7[%swap3A_153], %swap3A_156 {strides = array<i32>} : memref<1024xf32, #tpu.memory_space<vmem>>, vector<16xf32>,
    %broadcast_in_dim3A_157 = arith.constant 1.000000e+00 : f32
    %broadcast_in_dim3A_158 = vector.broadcast %broadcast_in_dim3A_157 : f32 to vector<16xf32>
    %swap3A_159 = arith.constant 416 : index
    %swap3A_160 = tpu.vector_load %arg7[%swap3A_159] {strides = array<i32>} : memref<1024xf32, #tpu.memory_space<vmem>>, vector<16xf32>,
    %swap3A_161 = vector.shape_cast %swap3A_160 : vector<16xf32> to vector<16xf32>
    %swap3A_162 = vector.shape_cast %broadcast_in_dim3A_158 : vector<16xf32> to vector<16xf32>
    tpu.vector_store %arg7[%swap3A_159], %swap3A_162 {strides = array<i32>} : memref<1024xf32, #tpu.memory_space<vmem>>, vector<16xf32>,
    %broadcast_in_dim3A_163 = arith.constant 1.000000e+00 : f32
    %broadcast_in_dim3A_164 = vector.broadcast %broadcast_in_dim3A_163 : f32 to vector<16xf32>
    %swap3A_165 = arith.constant 432 : index
    %swap3A_166 = tpu.vector_load %arg7[%swap3A_165] {strides = array<i32>} : memref<1024xf32, #tpu.memory_space<vmem>>, vector<16xf32>,
    %swap3A_167 = vector.shape_cast %swap3A_166 : vector<16xf32> to vector<16xf32>
    %swap3A_168 = vector.shape_cast %broadcast_in_dim3A_164 : vector<16xf32> to vector<16xf32>
    tpu.vector_store %arg7[%swap3A_165], %swap3A_168 {strides = array<i32>} : memref<1024xf32, #tpu.memory_space<vmem>>, vector<16xf32>,
    %broadcast_in_dim3A_169 = arith.constant 1.000000e+00 : f32
    %broadcast_in_dim3A_170 = vector.broadcast %broadcast_in_dim3A_169 : f32 to vector<16xf32>
    %swap3A_171 = arith.constant 448 : index
    %swap3A_172 = tpu.vector_load %arg7[%swap3A_171] {strides = array<i32>} : memref<1024xf32, #tpu.memory_space<vmem>>, vector<16xf32>,
    %swap3A_173 = vector.shape_cast %swap3A_172 : vector<16xf32> to vector<16xf32>
    %swap3A_174 = vector.shape_cast %broadcast_in_dim3A_170 : vector<16xf32> to vector<16xf32>
    tpu.vector_store %arg7[%swap3A_171], %swap3A_174 {strides = array<i32>} : memref<1024xf32, #tpu.memory_space<vmem>>, vector<16xf32>,
    %broadcast_in_dim3A_175 = arith.constant 1.000000e+00 : f32
    %broadcast_in_dim3A_176 = vector.broadcast %broadcast_in_dim3A_175 : f32 to vector<16xf32>
    %swap3A_177 = arith.constant 464 : index
    %swap3A_178 = tpu.vector_load %arg7[%swap3A_177] {strides = array<i32>} : memref<1024xf32, #tpu.memory_space<vmem>>, vector<16xf32>,
    %swap3A_179 = vector.shape_cast %swap3A_178 : vector<16xf32> to vector<16xf32>
    %swap3A_180 = vector.shape_cast %broadcast_in_dim3A_176 : vector<16xf32> to vector<16xf32>
    tpu.vector_store %arg7[%swap3A_177], %swap3A_180 {strides = array<i32>} : memref<1024xf32, #tpu.memory_space<vmem>>, vector<16xf32>,
    %broadcast_in_dim3A_181 = arith.constant 1.000000e+00 : f32
    %broadcast_in_dim3A_182 = vector.broadcast %broadcast_in_dim3A_181 : f32 to vector<16xf32>
    %swap3A_183 = arith.constant 480 : index
    %swap3A_184 = tpu.vector_load %arg7[%swap3A_183] {strides = array<i32>} : memref<1024xf32, #tpu.memory_space<vmem>>, vector<16xf32>,
    %swap3A_185 = vector.shape_cast %swap3A_184 : vector<16xf32> to vector<16xf32>
    %swap3A_186 = vector.shape_cast %broadcast_in_dim3A_182 : vector<16xf32> to vector<16xf32>
    tpu.vector_store %arg7[%swap3A_183], %swap3A_186 {strides = array<i32>} : memref<1024xf32, #tpu.memory_space<vmem>>, vector<16xf32>,
    %broadcast_in_dim3A_187 = arith.constant 1.000000e+00 : f32
    %broadcast_in_dim3A_188 = vector.broadcast %broadcast_in_dim3A_187 : f32 to vector<16xf32>
    %swap3A_189 = arith.constant 496 : index
    %swap3A_190 = tpu.vector_load %arg7[%swap3A_189] {strides = array<i32>} : memref<1024xf32, #tpu.memory_space<vmem>>, vector<16xf32>,
    %swap3A_191 = vector.shape_cast %swap3A_190 : vector<16xf32> to vector<16xf32>
    %swap3A_192 = vector.shape_cast %broadcast_in_dim3A_188 : vector<16xf32> to vector<16xf32>
    tpu.vector_store %arg7[%swap3A_189], %swap3A_192 {strides = array<i32>} : memref<1024xf32, #tpu.memory_space<vmem>>, vector<16xf32>,
    %broadcast_in_dim3A_193 = arith.constant 1.000000e+00 : f32
    %broadcast_in_dim3A_194 = vector.broadcast %broadcast_in_dim3A_193 : f32 to vector<16xf32>
    %swap3A_195 = arith.constant 512 : index
    %swap3A_196 = tpu.vector_load %arg7[%swap3A_195] {strides = array<i32>} : memref<1024xf32, #tpu.memory_space<vmem>>, vector<16xf32>,
    %swap3A_197 = vector.shape_cast %swap3A_196 : vector<16xf32> to vector<16xf32>
    %swap3A_198 = vector.shape_cast %broadcast_in_dim3A_194 : vector<16xf32> to vector<16xf32>
    tpu.vector_store %arg7[%swap3A_195], %swap3A_198 {strides = array<i32>} : memref<1024xf32, #tpu.memory_space<vmem>>, vector<16xf32>,
    %broadcast_in_dim3A_199 = arith.constant 1.000000e+00 : f32
    %broadcast_in_dim3A_200 = vector.broadcast %broadcast_in_dim3A_199 : f32 to vector<16xf32>
    %swap3A_201 = arith.constant 528 : index
    %swap3A_202 = tpu.vector_load %arg7[%swap3A_201] {strides = array<i32>} : memref<1024xf32, #tpu.memory_space<vmem>>, vector<16xf32>,
    %swap3A_203 = vector.shape_cast %swap3A_202 : vector<16xf32> to vector<16xf32>
    %swap3A_204 = vector.shape_cast %broadcast_in_dim3A_200 : vector<16xf32> to vector<16xf32>
    tpu.vector_store %arg7[%swap3A_201], %swap3A_204 {strides = array<i32>} : memref<1024xf32, #tpu.memory_space<vmem>>, vector<16xf32>,
    %broadcast_in_dim3A_205 = arith.constant 1.000000e+00 : f32
    %broadcast_in_dim3A_206 = vector.broadcast %broadcast_in_dim3A_205 : f32 to vector<16xf32>
    %swap3A_207 = arith.constant 544 : index
    %swap3A_208 = tpu.vector_load %arg7[%swap3A_207] {strides = array<i32>} : memref<1024xf32, #tpu.memory_space<vmem>>, vector<16xf32>,
    %swap3A_209 = vector.shape_cast %swap3A_208 : vector<16xf32> to vector<16xf32>
    %swap3A_210 = vector.shape_cast %broadcast_in_dim3A_206 : vector<16xf32> to vector<16xf32>
    tpu.vector_store %arg7[%swap3A_207], %swap3A_210 {strides = array<i32>} : memref<1024xf32, #tpu.memory_space<vmem>>, vector<16xf32>,
    %broadcast_in_dim3A_211 = arith.constant 1.000000e+00 : f32
    %broadcast_in_dim3A_212 = vector.broadcast %broadcast_in_dim3A_211 : f32 to vector<16xf32>
    %swap3A_213 = arith.constant 560 : index
    %swap3A_214 = tpu.vector_load %arg7[%swap3A_213] {strides = array<i32>} : memref<1024xf32, #tpu.memory_space<vmem>>, vector<16xf32>,
    %swap3A_215 = vector.shape_cast %swap3A_214 : vector<16xf32> to vector<16xf32>
    %swap3A_216 = vector.shape_cast %broadcast_in_dim3A_212 : vector<16xf32> to vector<16xf32>
    tpu.vector_store %arg7[%swap3A_213], %swap3A_216 {strides = array<i32>} : memref<1024xf32, #tpu.memory_space<vmem>>, vector<16xf32>,
    %broadcast_in_dim3A_217 = arith.constant 1.000000e+00 : f32
    %broadcast_in_dim3A_218 = vector.broadcast %broadcast_in_dim3A_217 : f32 to vector<16xf32>
    %swap3A_219 = arith.constant 576 : index
    %swap3A_220 = tpu.vector_load %arg7[%swap3A_219] {strides = array<i32>} : memref<1024xf32, #tpu.memory_space<vmem>>, vector<16xf32>,
    %swap3A_221 = vector.shape_cast %swap3A_220 : vector<16xf32> to vector<16xf32>
    %swap3A_222 = vector.shape_cast %broadcast_in_dim3A_218 : vector<16xf32> to vector<16xf32>
    tpu.vector_store %arg7[%swap3A_219], %swap3A_222 {strides = array<i32>} : memref<1024xf32, #tpu.memory_space<vmem>>, vector<16xf32>,
    %broadcast_in_dim3A_223 = arith.constant 1.000000e+00 : f32
    %broadcast_in_dim3A_224 = vector.broadcast %broadcast_in_dim3A_223 : f32 to vector<16xf32>
    %swap3A_225 = arith.constant 592 : index
    %swap3A_226 = tpu.vector_load %arg7[%swap3A_225] {strides = array<i32>} : memref<1024xf32, #tpu.memory_space<vmem>>, vector<16xf32>,
    %swap3A_227 = vector.shape_cast %swap3A_226 : vector<16xf32> to vector<16xf32>
    %swap3A_228 = vector.shape_cast %broadcast_in_dim3A_224 : vector<16xf32> to vector<16xf32>
    tpu.vector_store %arg7[%swap3A_225], %swap3A_228 {strides = array<i32>} : memref<1024xf32, #tpu.memory_space<vmem>>, vector<16xf32>,
    %broadcast_in_dim3A_229 = arith.constant 1.000000e+00 : f32
    %broadcast_in_dim3A_230 = vector.broadcast %broadcast_in_dim3A_229 : f32 to vector<16xf32>
    %swap3A_231 = arith.constant 608 : index
    %swap3A_232 = tpu.vector_load %arg7[%swap3A_231] {strides = array<i32>} : memref<1024xf32, #tpu.memory_space<vmem>>, vector<16xf32>,
    %swap3A_233 = vector.shape_cast %swap3A_232 : vector<16xf32> to vector<16xf32>
    %swap3A_234 = vector.shape_cast %broadcast_in_dim3A_230 : vector<16xf32> to vector<16xf32>
    tpu.vector_store %arg7[%swap3A_231], %swap3A_234 {strides = array<i32>} : memref<1024xf32, #tpu.memory_space<vmem>>, vector<16xf32>,
    %broadcast_in_dim3A_235 = arith.constant 1.000000e+00 : f32
    %broadcast_in_dim3A_236 = vector.broadcast %broadcast_in_dim3A_235 : f32 to vector<16xf32>
    %swap3A_237 = arith.constant 624 : index
    %swap3A_238 = tpu.vector_load %arg7[%swap3A_237] {strides = array<i32>} : memref<1024xf32, #tpu.memory_space<vmem>>, vector<16xf32>,
    %swap3A_239 = vector.shape_cast %swap3A_238 : vector<16xf32> to vector<16xf32>
    %swap3A_240 = vector.shape_cast %broadcast_in_dim3A_236 : vector<16xf32> to vector<16xf32>
    tpu.vector_store %arg7[%swap3A_237], %swap3A_240 {strides = array<i32>} : memref<1024xf32, #tpu.memory_space<vmem>>, vector<16xf32>,
    %broadcast_in_dim3A_241 = arith.constant 1.000000e+00 : f32
    %broadcast_in_dim3A_242 = vector.broadcast %broadcast_in_dim3A_241 : f32 to vector<16xf32>
    %swap3A_243 = arith.constant 640 : index
    %swap3A_244 = tpu.vector_load %arg7[%swap3A_243] {strides = array<i32>} : memref<1024xf32, #tpu.memory_space<vmem>>, vector<16xf32>,
    %swap3A_245 = vector.shape_cast %swap3A_244 : vector<16xf32> to vector<16xf32>
    %swap3A_246 = vector.shape_cast %broadcast_in_dim3A_242 : vector<16xf32> to vector<16xf32>
    tpu.vector_store %arg7[%swap3A_243], %swap3A_246 {strides = array<i32>} : memref<1024xf32, #tpu.memory_space<vmem>>, vector<16xf32>,
    %broadcast_in_dim3A_247 = arith.constant 1.000000e+00 : f32
    %broadcast_in_dim3A_248 = vector.broadcast %broadcast_in_dim3A_247 : f32 to vector<16xf32>
    %swap3A_249 = arith.constant 656 : index
    %swap3A_250 = tpu.vector_load %arg7[%swap3A_249] {strides = array<i32>} : memref<1024xf32, #tpu.memory_space<vmem>>, vector<16xf32>,
    %swap3A_251 = vector.shape_cast %swap3A_250 : vector<16xf32> to vector<16xf32>
    %swap3A_252 = vector.shape_cast %broadcast_in_dim3A_248 : vector<16xf32> to vector<16xf32>
    tpu.vector_store %arg7[%swap3A_249], %swap3A_252 {strides = array<i32>} : memref<1024xf32, #tpu.memory_space<vmem>>, vector<16xf32>,
    %broadcast_in_dim3A_253 = arith.constant 1.000000e+00 : f32
    %broadcast_in_dim3A_254 = vector.broadcast %broadcast_in_dim3A_253 : f32 to vector<16xf32>
    %swap3A_255 = arith.constant 672 : index
    %swap3A_256 = tpu.vector_load %arg7[%swap3A_255] {strides = array<i32>} : memref<1024xf32, #tpu.memory_space<vmem>>, vector<16xf32>,
    %swap3A_257 = vector.shape_cast %swap3A_256 : vector<16xf32> to vector<16xf32>
    %swap3A_258 = vector.shape_cast %broadcast_in_dim3A_254 : vector<16xf32> to vector<16xf32>
    tpu.vector_store %arg7[%swap3A_255], %swap3A_258 {strides = array<i32>} : memref<1024xf32, #tpu.memory_space<vmem>>, vector<16xf32>,
    %broadcast_in_dim3A_259 = arith.constant 1.000000e+00 : f32
    %broadcast_in_dim3A_260 = vector.broadcast %broadcast_in_dim3A_259 : f32 to vector<16xf32>
    %swap3A_261 = arith.constant 688 : index
    %swap3A_262 = tpu.vector_load %arg7[%swap3A_261] {strides = array<i32>} : memref<1024xf32, #tpu.memory_space<vmem>>, vector<16xf32>,
    %swap3A_263 = vector.shape_cast %swap3A_262 : vector<16xf32> to vector<16xf32>
    %swap3A_264 = vector.shape_cast %broadcast_in_dim3A_260 : vector<16xf32> to vector<16xf32>
    tpu.vector_store %arg7[%swap3A_261], %swap3A_264 {strides = array<i32>} : memref<1024xf32, #tpu.memory_space<vmem>>, vector<16xf32>,
    %broadcast_in_dim3A_265 = arith.constant 1.000000e+00 : f32
    %broadcast_in_dim3A_266 = vector.broadcast %broadcast_in_dim3A_265 : f32 to vector<16xf32>
    %swap3A_267 = arith.constant 704 : index
    %swap3A_268 = tpu.vector_load %arg7[%swap3A_267] {strides = array<i32>} : memref<1024xf32, #tpu.memory_space<vmem>>, vector<16xf32>,
    %swap3A_269 = vector.shape_cast %swap3A_268 : vector<16xf32> to vector<16xf32>
    %swap3A_270 = vector.shape_cast %broadcast_in_dim3A_266 : vector<16xf32> to vector<16xf32>
    tpu.vector_store %arg7[%swap3A_267], %swap3A_270 {strides = array<i32>} : memref<1024xf32, #tpu.memory_space<vmem>>, vector<16xf32>,
    %broadcast_in_dim3A_271 = arith.constant 1.000000e+00 : f32
    %broadcast_in_dim3A_272 = vector.broadcast %broadcast_in_dim3A_271 : f32 to vector<16xf32>
    %swap3A_273 = arith.constant 720 : index
    %swap3A_274 = tpu.vector_load %arg7[%swap3A_273] {strides = array<i32>} : memref<1024xf32, #tpu.memory_space<vmem>>, vector<16xf32>,
    %swap3A_275 = vector.shape_cast %swap3A_274 : vector<16xf32> to vector<16xf32>
    %swap3A_276 = vector.shape_cast %broadcast_in_dim3A_272 : vector<16xf32> to vector<16xf32>
    tpu.vector_store %arg7[%swap3A_273], %swap3A_276 {strides = array<i32>} : memref<1024xf32, #tpu.memory_space<vmem>>, vector<16xf32>,
    %broadcast_in_dim3A_277 = arith.constant 1.000000e+00 : f32
    %broadcast_in_dim3A_278 = vector.broadcast %broadcast_in_dim3A_277 : f32 to vector<16xf32>
    %swap3A_279 = arith.constant 736 : index
    %swap3A_280 = tpu.vector_load %arg7[%swap3A_279] {strides = array<i32>} : memref<1024xf32, #tpu.memory_space<vmem>>, vector<16xf32>,
    %swap3A_281 = vector.shape_cast %swap3A_280 : vector<16xf32> to vector<16xf32>
    %swap3A_282 = vector.shape_cast %broadcast_in_dim3A_278 : vector<16xf32> to vector<16xf32>
    tpu.vector_store %arg7[%swap3A_279], %swap3A_282 {strides = array<i32>} : memref<1024xf32, #tpu.memory_space<vmem>>, vector<16xf32>,
    %broadcast_in_dim3A_283 = arith.constant 1.000000e+00 : f32
    %broadcast_in_dim3A_284 = vector.broadcast %broadcast_in_dim3A_283 : f32 to vector<16xf32>
    %swap3A_285 = arith.constant 752 : index
    %swap3A_286 = tpu.vector_load %arg7[%swap3A_285] {strides = array<i32>} : memref<1024xf32, #tpu.memory_space<vmem>>, vector<16xf32>,
    %swap3A_287 = vector.shape_cast %swap3A_286 : vector<16xf32> to vector<16xf32>
    %swap3A_288 = vector.shape_cast %broadcast_in_dim3A_284 : vector<16xf32> to vector<16xf32>
    tpu.vector_store %arg7[%swap3A_285], %swap3A_288 {strides = array<i32>} : memref<1024xf32, #tpu.memory_space<vmem>>, vector<16xf32>,
    %broadcast_in_dim3A_289 = arith.constant 1.000000e+00 : f32
    %broadcast_in_dim3A_290 = vector.broadcast %broadcast_in_dim3A_289 : f32 to vector<16xf32>
    %swap3A_291 = arith.constant 768 : index
    %swap3A_292 = tpu.vector_load %arg7[%swap3A_291] {strides = array<i32>} : memref<1024xf32, #tpu.memory_space<vmem>>, vector<16xf32>,
    %swap3A_293 = vector.shape_cast %swap3A_292 : vector<16xf32> to vector<16xf32>
    %swap3A_294 = vector.shape_cast %broadcast_in_dim3A_290 : vector<16xf32> to vector<16xf32>
    tpu.vector_store %arg7[%swap3A_291], %swap3A_294 {strides = array<i32>} : memref<1024xf32, #tpu.memory_space<vmem>>, vector<16xf32>,
    %broadcast_in_dim3A_295 = arith.constant 1.000000e+00 : f32
    %broadcast_in_dim3A_296 = vector.broadcast %broadcast_in_dim3A_295 : f32 to vector<16xf32>
    %swap3A_297 = arith.constant 784 : index
    %swap3A_298 = tpu.vector_load %arg7[%swap3A_297] {strides = array<i32>} : memref<1024xf32, #tpu.memory_space<vmem>>, vector<16xf32>,
    %swap3A_299 = vector.shape_cast %swap3A_298 : vector<16xf32> to vector<16xf32>
    %swap3A_300 = vector.shape_cast %broadcast_in_dim3A_296 : vector<16xf32> to vector<16xf32>
    tpu.vector_store %arg7[%swap3A_297], %swap3A_300 {strides = array<i32>} : memref<1024xf32, #tpu.memory_space<vmem>>, vector<16xf32>,
    %broadcast_in_dim3A_301 = arith.constant 1.000000e+00 : f32
    %broadcast_in_dim3A_302 = vector.broadcast %broadcast_in_dim3A_301 : f32 to vector<16xf32>
    %swap3A_303 = arith.constant 800 : index
    %swap3A_304 = tpu.vector_load %arg7[%swap3A_303] {strides = array<i32>} : memref<1024xf32, #tpu.memory_space<vmem>>, vector<16xf32>,
    %swap3A_305 = vector.shape_cast %swap3A_304 : vector<16xf32> to vector<16xf32>
    %swap3A_306 = vector.shape_cast %broadcast_in_dim3A_302 : vector<16xf32> to vector<16xf32>
    tpu.vector_store %arg7[%swap3A_303], %swap3A_306 {strides = array<i32>} : memref<1024xf32, #tpu.memory_space<vmem>>, vector<16xf32>,
    %broadcast_in_dim3A_307 = arith.constant 1.000000e+00 : f32
    %broadcast_in_dim3A_308 = vector.broadcast %broadcast_in_dim3A_307 : f32 to vector<16xf32>
    %swap3A_309 = arith.constant 816 : index
    %swap3A_310 = tpu.vector_load %arg7[%swap3A_309] {strides = array<i32>} : memref<1024xf32, #tpu.memory_space<vmem>>, vector<16xf32>,
    %swap3A_311 = vector.shape_cast %swap3A_310 : vector<16xf32> to vector<16xf32>
    %swap3A_312 = vector.shape_cast %broadcast_in_dim3A_308 : vector<16xf32> to vector<16xf32>
    tpu.vector_store %arg7[%swap3A_309], %swap3A_312 {strides = array<i32>} : memref<1024xf32, #tpu.memory_space<vmem>>, vector<16xf32>,
    %broadcast_in_dim3A_313 = arith.constant 1.000000e+00 : f32
    %broadcast_in_dim3A_314 = vector.broadcast %broadcast_in_dim3A_313 : f32 to vector<16xf32>
    %swap3A_315 = arith.constant 832 : index
    %swap3A_316 = tpu.vector_load %arg7[%swap3A_315] {strides = array<i32>} : memref<1024xf32, #tpu.memory_space<vmem>>, vector<16xf32>,
    %swap3A_317 = vector.shape_cast %swap3A_316 : vector<16xf32> to vector<16xf32>
    %swap3A_318 = vector.shape_cast %broadcast_in_dim3A_314 : vector<16xf32> to vector<16xf32>
    tpu.vector_store %arg7[%swap3A_315], %swap3A_318 {strides = array<i32>} : memref<1024xf32, #tpu.memory_space<vmem>>, vector<16xf32>,
    %broadcast_in_dim3A_319 = arith.constant 1.000000e+00 : f32
    %broadcast_in_dim3A_320 = vector.broadcast %broadcast_in_dim3A_319 : f32 to vector<16xf32>
    %swap3A_321 = arith.constant 848 : index
    %swap3A_322 = tpu.vector_load %arg7[%swap3A_321] {strides = array<i32>} : memref<1024xf32, #tpu.memory_space<vmem>>, vector<16xf32>,
    %swap3A_323 = vector.shape_cast %swap3A_322 : vector<16xf32> to vector<16xf32>
    %swap3A_324 = vector.shape_cast %broadcast_in_dim3A_320 : vector<16xf32> to vector<16xf32>
    tpu.vector_store %arg7[%swap3A_321], %swap3A_324 {strides = array<i32>} : memref<1024xf32, #tpu.memory_space<vmem>>, vector<16xf32>,
    %broadcast_in_dim3A_325 = arith.constant 1.000000e+00 : f32
    %broadcast_in_dim3A_326 = vector.broadcast %broadcast_in_dim3A_325 : f32 to vector<16xf32>
    %swap3A_327 = arith.constant 864 : index
    %swap3A_328 = tpu.vector_load %arg7[%swap3A_327] {strides = array<i32>} : memref<1024xf32, #tpu.memory_space<vmem>>, vector<16xf32>,
    %swap3A_329 = vector.shape_cast %swap3A_328 : vector<16xf32> to vector<16xf32>
    %swap3A_330 = vector.shape_cast %broadcast_in_dim3A_326 : vector<16xf32> to vector<16xf32>
    tpu.vector_store %arg7[%swap3A_327], %swap3A_330 {strides = array<i32>} : memref<1024xf32, #tpu.memory_space<vmem>>, vector<16xf32>,
    %broadcast_in_dim3A_331 = arith.constant 1.000000e+00 : f32
    %broadcast_in_dim3A_332 = vector.broadcast %broadcast_in_dim3A_331 : f32 to vector<16xf32>
    %swap3A_333 = arith.constant 880 : index
    %swap3A_334 = tpu.vector_load %arg7[%swap3A_333] {strides = array<i32>} : memref<1024xf32, #tpu.memory_space<vmem>>, vector<16xf32>,
    %swap3A_335 = vector.shape_cast %swap3A_334 : vector<16xf32> to vector<16xf32>
    %swap3A_336 = vector.shape_cast %broadcast_in_dim3A_332 : vector<16xf32> to vector<16xf32>
    tpu.vector_store %arg7[%swap3A_333], %swap3A_336 {strides = array<i32>} : memref<1024xf32, #tpu.memory_space<vmem>>, vector<16xf32>,
    %broadcast_in_dim3A_337 = arith.constant 1.000000e+00 : f32
    %broadcast_in_dim3A_338 = vector.broadcast %broadcast_in_dim3A_337 : f32 to vector<16xf32>
    %swap3A_339 = arith.constant 896 : index
    %swap3A_340 = tpu.vector_load %arg7[%swap3A_339] {strides = array<i32>} : memref<1024xf32, #tpu.memory_space<vmem>>, vector<16xf32>,
    %swap3A_341 = vector.shape_cast %swap3A_340 : vector<16xf32> to vector<16xf32>
    %swap3A_342 = vector.shape_cast %broadcast_in_dim3A_338 : vector<16xf32> to vector<16xf32>
    tpu.vector_store %arg7[%swap3A_339], %swap3A_342 {strides = array<i32>} : memref<1024xf32, #tpu.memory_space<vmem>>, vector<16xf32>,
    %broadcast_in_dim3A_343 = arith.constant 1.000000e+00 : f32
    %broadcast_in_dim3A_344 = vector.broadcast %broadcast_in_dim3A_343 : f32 to vector<16xf32>
    %swap3A_345 = arith.constant 912 : index
    %swap3A_346 = tpu.vector_load %arg7[%swap3A_345] {strides = array<i32>} : memref<1024xf32, #tpu.memory_space<vmem>>, vector<16xf32>,
    %swap3A_347 = vector.shape_cast %swap3A_346 : vector<16xf32> to vector<16xf32>
    %swap3A_348 = vector.shape_cast %broadcast_in_dim3A_344 : vector<16xf32> to vector<16xf32>
    tpu.vector_store %arg7[%swap3A_345], %swap3A_348 {strides = array<i32>} : memref<1024xf32, #tpu.memory_space<vmem>>, vector<16xf32>,
    %broadcast_in_dim3A_349 = arith.constant 1.000000e+00 : f32
    %broadcast_in_dim3A_350 = vector.broadcast %broadcast_in_dim3A_349 : f32 to vector<16xf32>
    %swap3A_351 = arith.constant 928 : index
    %swap3A_352 = tpu.vector_load %arg7[%swap3A_351] {strides = array<i32>} : memref<1024xf32, #tpu.memory_space<vmem>>, vector<16xf32>,
    %swap3A_353 = vector.shape_cast %swap3A_352 : vector<16xf32> to vector<16xf32>
    %swap3A_354 = vector.shape_cast %broadcast_in_dim3A_350 : vector<16xf32> to vector<16xf32>
    tpu.vector_store %arg7[%swap3A_351], %swap3A_354 {strides = array<i32>} : memref<1024xf32, #tpu.memory_space<vmem>>, vector<16xf32>,
    %broadcast_in_dim3A_355 = arith.constant 1.000000e+00 : f32
    %broadcast_in_dim3A_356 = vector.broadcast %broadcast_in_dim3A_355 : f32 to vector<16xf32>
    %swap3A_357 = arith.constant 944 : index
    %swap3A_358 = tpu.vector_load %arg7[%swap3A_357] {strides = array<i32>} : memref<1024xf32, #tpu.memory_space<vmem>>, vector<16xf32>,
    %swap3A_359 = vector.shape_cast %swap3A_358 : vector<16xf32> to vector<16xf32>
    %swap3A_360 = vector.shape_cast %broadcast_in_dim3A_356 : vector<16xf32> to vector<16xf32>
    tpu.vector_store %arg7[%swap3A_357], %swap3A_360 {strides = array<i32>} : memref<1024xf32, #tpu.memory_space<vmem>>, vector<16xf32>,
    %broadcast_in_dim3A_361 = arith.constant 1.000000e+00 : f32
    %broadcast_in_dim3A_362 = vector.broadcast %broadcast_in_dim3A_361 : f32 to vector<16xf32>
    %swap3A_363 = arith.constant 960 : index
    %swap3A_364 = tpu.vector_load %arg7[%swap3A_363] {strides = array<i32>} : memref<1024xf32, #tpu.memory_space<vmem>>, vector<16xf32>,
    %swap3A_365 = vector.shape_cast %swap3A_364 : vector<16xf32> to vector<16xf32>
    %swap3A_366 = vector.shape_cast %broadcast_in_dim3A_362 : vector<16xf32> to vector<16xf32>
    tpu.vector_store %arg7[%swap3A_363], %swap3A_366 {strides = array<i32>} : memref<1024xf32, #tpu.memory_space<vmem>>, vector<16xf32>,
    %broadcast_in_dim3A_367 = arith.constant 1.000000e+00 : f32
    %broadcast_in_dim3A_368 = vector.broadcast %broadcast_in_dim3A_367 : f32 to vector<16xf32>
    %swap3A_369 = arith.constant 976 : index
    %swap3A_370 = tpu.vector_load %arg7[%swap3A_369] {strides = array<i32>} : memref<1024xf32, #tpu.memory_space<vmem>>, vector<16xf32>,
    %swap3A_371 = vector.shape_cast %swap3A_370 : vector<16xf32> to vector<16xf32>
    %swap3A_372 = vector.shape_cast %broadcast_in_dim3A_368 : vector<16xf32> to vector<16xf32>
    tpu.vector_store %arg7[%swap3A_369], %swap3A_372 {strides = array<i32>} : memref<1024xf32, #tpu.memory_space<vmem>>, vector<16xf32>,
    %broadcast_in_dim3A_373 = arith.constant 1.000000e+00 : f32
    %broadcast_in_dim3A_374 = vector.broadcast %broadcast_in_dim3A_373 : f32 to vector<16xf32>
    %swap3A_375 = arith.constant 992 : index
    %swap3A_376 = tpu.vector_load %arg7[%swap3A_375] {strides = array<i32>} : memref<1024xf32, #tpu.memory_space<vmem>>, vector<16xf32>,
    %swap3A_377 = vector.shape_cast %swap3A_376 : vector<16xf32> to vector<16xf32>
    %swap3A_378 = vector.shape_cast %broadcast_in_dim3A_374 : vector<16xf32> to vector<16xf32>
    tpu.vector_store %arg7[%swap3A_375], %swap3A_378 {strides = array<i32>} : memref<1024xf32, #tpu.memory_space<vmem>>, vector<16xf32>,
    %broadcast_in_dim3A_379 = arith.constant 1.000000e+00 : f32
    %broadcast_in_dim3A_380 = vector.broadcast %broadcast_in_dim3A_379 : f32 to vector<16xf32>
    %swap3A_381 = arith.constant 1008 : index
    %swap3A_382 = tpu.vector_load %arg7[%swap3A_381] {strides = array<i32>} : memref<1024xf32, #tpu.memory_space<vmem>>, vector<16xf32>,
    %swap3A_383 = vector.shape_cast %swap3A_382 : vector<16xf32> to vector<16xf32>
    %swap3A_384 = vector.shape_cast %broadcast_in_dim3A_380 : vector<16xf32> to vector<16xf32>
    tpu.vector_store %arg7[%swap3A_381], %swap3A_384 {strides = array<i32>} : memref<1024xf32, #tpu.memory_space<vmem>>, vector<16xf32>,
    %barrier3A = arith.constant 0 : index
    tpu.barrier barrier_id(%barrier3A)
    %mul3A_385 = arith.constant 16 : i32
    %mul3A_386 = arith.muli %arg0, %mul3A_385 : i32
    %add3A = arith.addi %mul3A_386, %arg1 : i32
    %mul3A_387 = arith.constant 50000 : i32
    %mul3A_388 = arith.muli %add3A, %mul3A_387 : i32
    %scan3A = arith.constant 0 : i32
    %scan3A_389 = arith.constant 0 : i32
    %scan3A_390 = arith.constant 48 : i32
    %scan3A_391 = arith.addi %scan3A_389, %scan3A_390 : i32
    %scan3A_392 = arith.constant 1 : i32
    scf.for %scan3A_467 = %scan3A_389 to %scan3A_391 step %scan3A_392  : i32 {
      %mul3A_468 = arith.constant 1024 : i32
      %mul3A_469 = arith.muli %scan3A_467, %mul3A_468 : i32
      %add3A_470 = arith.addi %mul3A_388, %mul3A_469 : i32
      "tpu.region"() ({
        %run_scoped3A = tpu.sem_alloc : memref<!tpu.dma_semaphore, #tpu.memory_space<semaphore_mem>>
        %dma_start3A = tpu.memref_slice %arg2[%add3A_470] : memref<1600000xi32, #tpu.memory_space<hbm>> -> memref<1024xi32, #tpu.memory_space<hbm>>
        %dma_start3A_471 = tpu.memref_slice %arg2[%add3A_470] : memref<1600000xi32, #tpu.memory_space<hbm>> -> memref<1024xi32, #tpu.memory_space<hbm>>
        tpu.enqueue_dma source(%dma_start3A_471 : memref<1024xi32, #tpu.memory_space<hbm>>) target(%arg6 : memref<1024xi32, #tpu.memory_space<vmem>>) target_semaphore(%run_scoped3A : memref<!tpu.dma_semaphore, #tpu.memory_space<semaphore_mem>>)
        %dma_wait3A = tpu.memref_slice %arg2[%add3A_470] : memref<1600000xi32, #tpu.memory_space<hbm>> -> memref<1024xi32, #tpu.memory_space<hbm>>
        %dma_wait3A_472 = tpu.memref_slice %arg2[%add3A_470] : memref<1600000xi32, #tpu.memory_space<hbm>> -> memref<1024xi32, #tpu.memory_space<hbm>>
        tpu.wait_dma2 semaphore(%run_scoped3A : memref<!tpu.dma_semaphore, #tpu.memory_space<semaphore_mem>>) src(%dma_wait3A_472 : memref<1024xi32, #tpu.memory_space<hbm>>) dst(%arg6 : memref<1024xi32, #tpu.memory_space<vmem>>)
        tpu.yield
      }) : () -> ()
      "tpu.region"() ({
        %run_scoped3A = tpu.sem_alloc : memref<!tpu.dma_semaphore, #tpu.memory_space<semaphore_mem>>
        %dma_start3A = arith.constant 0 : i32
        %dma_start3A_471 = tpu.memref_slice %arg5[%dma_start3A] : memref<100352xf32, #tpu.memory_space<vmem_shared>> -> memref<100352xf32, #tpu.memory_space<vmem_shared>>
        tpu.enqueue_indirect_dma source(%arg7 : memref<1024xf32, #tpu.memory_space<vmem>>) target(%dma_start3A_471 : memref<100352xf32, #tpu.memory_space<vmem_shared>>) offsets(%arg6 : memref<1024xi32, #tpu.memory_space<vmem>>) semaphore(%run_scoped3A : memref<!tpu.dma_semaphore, #tpu.memory_space<semaphore_mem>>) {add = true}
        %dma_wait3A = arith.constant 0 : i32
        %dma_wait3A_472 = tpu.memref_slice %arg5[%dma_wait3A] : memref<100352xf32, #tpu.memory_space<vmem_shared>> -> memref<100352xf32, #tpu.memory_space<vmem_shared>>
        tpu.wait_indirect_dma semaphore(%run_scoped3A : memref<!tpu.dma_semaphore, #tpu.memory_space<semaphore_mem>>) src(%arg7 : memref<1024xf32, #tpu.memory_space<vmem>>) dst(%dma_wait3A_472 : memref<100352xf32, #tpu.memory_space<vmem_shared>>)
        tpu.yield
      }) : () -> ()
    }
    %scan3A_393 = arith.constant 48 : i32
    %add3A_394 = arith.constant 49152 : i32
    %add3A_395 = arith.addi %mul3A_388, %add3A_394 : i32
    "tpu.region"() ({
      %run_scoped3A = tpu.sem_alloc : memref<!tpu.dma_semaphore, #tpu.memory_space<semaphore_mem>>
      %dma_start3A = arith.constant 0 : i32
      %dma_start3A_467 = tpu.memref_slice %arg6[%dma_start3A] : memref<1024xi32, #tpu.memory_space<vmem>> -> memref<848xi32, #tpu.memory_space<vmem>>
      %dma_start3A_468 = tpu.memref_slice %arg2[%add3A_395] : memref<1600000xi32, #tpu.memory_space<hbm>> -> memref<848xi32, #tpu.memory_space<hbm>>
      %dma_start3A_469 = arith.constant 0 : i32
      %dma_start3A_470 = tpu.memref_slice %arg6[%dma_start3A_469] : memref<1024xi32, #tpu.memory_space<vmem>> -> memref<848xi32, #tpu.memory_space<vmem>>
      %dma_start3A_471 = tpu.memref_slice %arg2[%add3A_395] : memref<1600000xi32, #tpu.memory_space<hbm>> -> memref<848xi32, #tpu.memory_space<hbm>>
      tpu.enqueue_dma source(%dma_start3A_471 : memref<848xi32, #tpu.memory_space<hbm>>) target(%dma_start3A_470 : memref<848xi32, #tpu.memory_space<vmem>>) target_semaphore(%run_scoped3A : memref<!tpu.dma_semaphore, #tpu.memory_space<semaphore_mem>>)
      %dma_wait3A = arith.constant 0 : i32
      %dma_wait3A_472 = tpu.memref_slice %arg6[%dma_wait3A] : memref<1024xi32, #tpu.memory_space<vmem>> -> memref<848xi32, #tpu.memory_space<vmem>>
      %dma_wait3A_473 = tpu.memref_slice %arg2[%add3A_395] : memref<1600000xi32, #tpu.memory_space<hbm>> -> memref<848xi32, #tpu.memory_space<hbm>>
      %dma_wait3A_474 = arith.constant 0 : i32
      %dma_wait3A_475 = tpu.memref_slice %arg6[%dma_wait3A_474] : memref<1024xi32, #tpu.memory_space<vmem>> -> memref<848xi32, #tpu.memory_space<vmem>>
      %dma_wait3A_476 = tpu.memref_slice %arg2[%add3A_395] : memref<1600000xi32, #tpu.memory_space<hbm>> -> memref<848xi32, #tpu.memory_space<hbm>>
      tpu.wait_dma2 semaphore(%run_scoped3A : memref<!tpu.dma_semaphore, #tpu.memory_space<semaphore_mem>>) src(%dma_wait3A_476 : memref<848xi32, #tpu.memory_space<hbm>>) dst(%dma_wait3A_475 : memref<848xi32, #tpu.memory_space<vmem>>)
      tpu.yield
    }) : () -> ()
    %broadcast_in_dim3A_396 = arith.constant 100000 : i32
    %broadcast_in_dim3A_397 = vector.broadcast %broadcast_in_dim3A_396 : i32 to vector<16xi32>
    %swap3A_398 = arith.constant 848 : index
    %swap3A_399 = tpu.vector_load %arg6[%swap3A_398] {strides = array<i32>} : memref<1024xi32, #tpu.memory_space<vmem>>, vector<16xi32>,
    %swap3A_400 = vector.shape_cast %swap3A_399 : vector<16xi32> to vector<16xi32>
    %swap3A_401 = vector.shape_cast %broadcast_in_dim3A_397 : vector<16xi32> to vector<16xi32>
    tpu.vector_store %arg6[%swap3A_398], %swap3A_401 {strides = array<i32>} : memref<1024xi32, #tpu.memory_space<vmem>>, vector<16xi32>,
    %broadcast_in_dim3A_402 = arith.constant 100000 : i32
    %broadcast_in_dim3A_403 = vector.broadcast %broadcast_in_dim3A_402 : i32 to vector<16xi32>
    %swap3A_404 = arith.constant 864 : index
    %swap3A_405 = tpu.vector_load %arg6[%swap3A_404] {strides = array<i32>} : memref<1024xi32, #tpu.memory_space<vmem>>, vector<16xi32>,
    %swap3A_406 = vector.shape_cast %swap3A_405 : vector<16xi32> to vector<16xi32>
    %swap3A_407 = vector.shape_cast %broadcast_in_dim3A_403 : vector<16xi32> to vector<16xi32>
    tpu.vector_store %arg6[%swap3A_404], %swap3A_407 {strides = array<i32>} : memref<1024xi32, #tpu.memory_space<vmem>>, vector<16xi32>,
    %broadcast_in_dim3A_408 = arith.constant 100000 : i32
    %broadcast_in_dim3A_409 = vector.broadcast %broadcast_in_dim3A_408 : i32 to vector<16xi32>
    %swap3A_410 = arith.constant 880 : index
    %swap3A_411 = tpu.vector_load %arg6[%swap3A_410] {strides = array<i32>} : memref<1024xi32, #tpu.memory_space<vmem>>, vector<16xi32>,
    %swap3A_412 = vector.shape_cast %swap3A_411 : vector<16xi32> to vector<16xi32>
    %swap3A_413 = vector.shape_cast %broadcast_in_dim3A_409 : vector<16xi32> to vector<16xi32>
    tpu.vector_store %arg6[%swap3A_410], %swap3A_413 {strides = array<i32>} : memref<1024xi32, #tpu.memory_space<vmem>>, vector<16xi32>,
    %broadcast_in_dim3A_414 = arith.constant 100000 : i32
    %broadcast_in_dim3A_415 = vector.broadcast %broadcast_in_dim3A_414 : i32 to vector<16xi32>
    %swap3A_416 = arith.constant 896 : index
    %swap3A_417 = tpu.vector_load %arg6[%swap3A_416] {strides = array<i32>} : memref<1024xi32, #tpu.memory_space<vmem>>, vector<16xi32>,
    %swap3A_418 = vector.shape_cast %swap3A_417 : vector<16xi32> to vector<16xi32>
    %swap3A_419 = vector.shape_cast %broadcast_in_dim3A_415 : vector<16xi32> to vector<16xi32>
    tpu.vector_store %arg6[%swap3A_416], %swap3A_419 {strides = array<i32>} : memref<1024xi32, #tpu.memory_space<vmem>>, vector<16xi32>,
    %broadcast_in_dim3A_420 = arith.constant 100000 : i32
    %broadcast_in_dim3A_421 = vector.broadcast %broadcast_in_dim3A_420 : i32 to vector<16xi32>
    %swap3A_422 = arith.constant 912 : index
    %swap3A_423 = tpu.vector_load %arg6[%swap3A_422] {strides = array<i32>} : memref<1024xi32, #tpu.memory_space<vmem>>, vector<16xi32>,
    %swap3A_424 = vector.shape_cast %swap3A_423 : vector<16xi32> to vector<16xi32>
    %swap3A_425 = vector.shape_cast %broadcast_in_dim3A_421 : vector<16xi32> to vector<16xi32>
    tpu.vector_store %arg6[%swap3A_422], %swap3A_425 {strides = array<i32>} : memref<1024xi32, #tpu.memory_space<vmem>>, vector<16xi32>,
    %broadcast_in_dim3A_426 = arith.constant 100000 : i32
    %broadcast_in_dim3A_427 = vector.broadcast %broadcast_in_dim3A_426 : i32 to vector<16xi32>
    %swap3A_428 = arith.constant 928 : index
    %swap3A_429 = tpu.vector_load %arg6[%swap3A_428] {strides = array<i32>} : memref<1024xi32, #tpu.memory_space<vmem>>, vector<16xi32>,
    %swap3A_430 = vector.shape_cast %swap3A_429 : vector<16xi32> to vector<16xi32>
    %swap3A_431 = vector.shape_cast %broadcast_in_dim3A_427 : vector<16xi32> to vector<16xi32>
    tpu.vector_store %arg6[%swap3A_428], %swap3A_431 {strides = array<i32>} : memref<1024xi32, #tpu.memory_space<vmem>>, vector<16xi32>,
    %broadcast_in_dim3A_432 = arith.constant 100000 : i32
    %broadcast_in_dim3A_433 = vector.broadcast %broadcast_in_dim3A_432 : i32 to vector<16xi32>
    %swap3A_434 = arith.constant 944 : index
    %swap3A_435 = tpu.vector_load %arg6[%swap3A_434] {strides = array<i32>} : memref<1024xi32, #tpu.memory_space<vmem>>, vector<16xi32>,
    %swap3A_436 = vector.shape_cast %swap3A_435 : vector<16xi32> to vector<16xi32>
    %swap3A_437 = vector.shape_cast %broadcast_in_dim3A_433 : vector<16xi32> to vector<16xi32>
    tpu.vector_store %arg6[%swap3A_434], %swap3A_437 {strides = array<i32>} : memref<1024xi32, #tpu.memory_space<vmem>>, vector<16xi32>,
    %broadcast_in_dim3A_438 = arith.constant 100000 : i32
    %broadcast_in_dim3A_439 = vector.broadcast %broadcast_in_dim3A_438 : i32 to vector<16xi32>
    %swap3A_440 = arith.constant 960 : index
    %swap3A_441 = tpu.vector_load %arg6[%swap3A_440] {strides = array<i32>} : memref<1024xi32, #tpu.memory_space<vmem>>, vector<16xi32>,
    %swap3A_442 = vector.shape_cast %swap3A_441 : vector<16xi32> to vector<16xi32>
    %swap3A_443 = vector.shape_cast %broadcast_in_dim3A_439 : vector<16xi32> to vector<16xi32>
    tpu.vector_store %arg6[%swap3A_440], %swap3A_443 {strides = array<i32>} : memref<1024xi32, #tpu.memory_space<vmem>>, vector<16xi32>,
    %broadcast_in_dim3A_444 = arith.constant 100000 : i32
    %broadcast_in_dim3A_445 = vector.broadcast %broadcast_in_dim3A_444 : i32 to vector<16xi32>
    %swap3A_446 = arith.constant 976 : index
    %swap3A_447 = tpu.vector_load %arg6[%swap3A_446] {strides = array<i32>} : memref<1024xi32, #tpu.memory_space<vmem>>, vector<16xi32>,
    %swap3A_448 = vector.shape_cast %swap3A_447 : vector<16xi32> to vector<16xi32>
    %swap3A_449 = vector.shape_cast %broadcast_in_dim3A_445 : vector<16xi32> to vector<16xi32>
    tpu.vector_store %arg6[%swap3A_446], %swap3A_449 {strides = array<i32>} : memref<1024xi32, #tpu.memory_space<vmem>>, vector<16xi32>,
    %broadcast_in_dim3A_450 = arith.constant 100000 : i32
    %broadcast_in_dim3A_451 = vector.broadcast %broadcast_in_dim3A_450 : i32 to vector<16xi32>
    %swap3A_452 = arith.constant 992 : index
    %swap3A_453 = tpu.vector_load %arg6[%swap3A_452] {strides = array<i32>} : memref<1024xi32, #tpu.memory_space<vmem>>, vector<16xi32>,
    %swap3A_454 = vector.shape_cast %swap3A_453 : vector<16xi32> to vector<16xi32>
    %swap3A_455 = vector.shape_cast %broadcast_in_dim3A_451 : vector<16xi32> to vector<16xi32>
    tpu.vector_store %arg6[%swap3A_452], %swap3A_455 {strides = array<i32>} : memref<1024xi32, #tpu.memory_space<vmem>>, vector<16xi32>,
    %broadcast_in_dim3A_456 = arith.constant 100000 : i32
    %broadcast_in_dim3A_457 = vector.broadcast %broadcast_in_dim3A_456 : i32 to vector<16xi32>
    %swap3A_458 = arith.constant 1008 : index
    %swap3A_459 = tpu.vector_load %arg6[%swap3A_458] {strides = array<i32>} : memref<1024xi32, #tpu.memory_space<vmem>>, vector<16xi32>,
    %swap3A_460 = vector.shape_cast %swap3A_459 : vector<16xi32> to vector<16xi32>
    %swap3A_461 = vector.shape_cast %broadcast_in_dim3A_457 : vector<16xi32> to vector<16xi32>
    tpu.vector_store %arg6[%swap3A_458], %swap3A_461 {strides = array<i32>} : memref<1024xi32, #tpu.memory_space<vmem>>, vector<16xi32>,
    "tpu.region"() ({
      %run_scoped3A = tpu.sem_alloc : memref<!tpu.dma_semaphore, #tpu.memory_space<semaphore_mem>>
      %dma_start3A = arith.constant 0 : i32
      %dma_start3A_467 = tpu.memref_slice %arg5[%dma_start3A] : memref<100352xf32, #tpu.memory_space<vmem_shared>> -> memref<100352xf32, #tpu.memory_space<vmem_shared>>
      tpu.enqueue_indirect_dma source(%arg7 : memref<1024xf32, #tpu.memory_space<vmem>>) target(%dma_start3A_467 : memref<100352xf32, #tpu.memory_space<vmem_shared>>) offsets(%arg6 : memref<1024xi32, #tpu.memory_space<vmem>>) semaphore(%run_scoped3A : memref<!tpu.dma_semaphore, #tpu.memory_space<semaphore_mem>>) {add = true}
      %dma_wait3A = arith.constant 0 : i32
      %dma_wait3A_468 = tpu.memref_slice %arg5[%dma_wait3A] : memref<100352xf32, #tpu.memory_space<vmem_shared>> -> memref<100352xf32, #tpu.memory_space<vmem_shared>>
      tpu.wait_indirect_dma semaphore(%run_scoped3A : memref<!tpu.dma_semaphore, #tpu.memory_space<semaphore_mem>>) src(%arg7 : memref<1024xf32, #tpu.memory_space<vmem>>) dst(%dma_wait3A_468 : memref<100352xf32, #tpu.memory_space<vmem_shared>>)
      tpu.yield
    }) : () -> ()
    %barrier3A_462 = arith.constant 0 : index
    tpu.barrier barrier_id(%barrier3A_462)
    %mul3A_463 = arith.constant 6272 : i32
    %mul3A_464 = arith.muli %arg1, %mul3A_463 : i32
    %mul3A_465 = arith.constant 6272 : i32
    %mul3A_466 = arith.muli %arg1, %mul3A_465 : i32
    "tpu.region"() ({
      %run_scoped3A = tpu.sem_alloc : memref<!tpu.dma_semaphore, #tpu.memory_space<semaphore_mem>>
      %dma_start3A = tpu.memref_slice %arg4[%arg0, %mul3A_466] : memref<2x100352xf32, #tpu.memory_space<hbm>> -> memref<1x6272xf32, #tpu.memory_space<hbm>>
      %dma_start3A_467 = tpu.memref_squeeze %dma_start3A : memref<1x6272xf32, #tpu.memory_space<hbm>> -> memref<6272xf32, #tpu.memory_space<hbm>>
      %dma_start3A_468 = tpu.memref_slice %arg5[%mul3A_464] : memref<100352xf32, #tpu.memory_space<vmem_shared>> -> memref<6272xf32, #tpu.memory_space<vmem_shared>>
      tpu.enqueue_dma source(%dma_start3A_468 : memref<6272xf32, #tpu.memory_space<vmem_shared>>) target(%dma_start3A_467 : memref<6272xf32, #tpu.memory_space<hbm>>) target_semaphore(%run_scoped3A : memref<!tpu.dma_semaphore, #tpu.memory_space<semaphore_mem>>)
      %dma_wait3A = tpu.memref_slice %arg4[%arg0, %mul3A_466] : memref<2x100352xf32, #tpu.memory_space<hbm>> -> memref<1x6272xf32, #tpu.memory_space<hbm>>
      %dma_wait3A_469 = tpu.memref_squeeze %dma_wait3A : memref<1x6272xf32, #tpu.memory_space<hbm>> -> memref<6272xf32, #tpu.memory_space<hbm>>
      %dma_wait3A_470 = tpu.memref_slice %arg5[%mul3A_464] : memref<100352xf32, #tpu.memory_space<vmem_shared>> -> memref<6272xf32, #tpu.memory_space<vmem_shared>>
      tpu.wait_dma2 semaphore(%run_scoped3A : memref<!tpu.dma_semaphore, #tpu.memory_space<semaphore_mem>>) src(%dma_wait3A_470 : memref<6272xf32, #tpu.memory_space<vmem_shared>>) dst(%dma_wait3A_469 : memref<6272xf32, #tpu.memory_space<hbm>>)
      tpu.yield
    }) : () -> ()
    return
  }
}

module attributes {stable_mosaic.version = 14 : i64} {
  func.func @_feat_body(%arg0: i32, %arg1: memref<2000x30xf32, #tpu.memory_space<vmem>>, %arg2: memref<2000x1xf32, #tpu.memory_space<vmem>>, %arg3: memref<2000x1xf32, #tpu.memory_space<vmem>>, %arg4: memref<2000x16xf32, #tpu.memory_space<vmem>>, %arg5: memref<2000x16xf32, #tpu.memory_space<vmem>>) attributes {dimension_semantics = [#tpu.dimension_semantics<arbitrary>], iteration_bounds = array<i64: 50>, scalar_prefetch = 0 : i64, scratch_operands = 0 : i64, tpu.core_type = #tpu.core_type<tc>, window_params = [{transform_indices = @transform_0, window_bounds = array<i64: 2000, 30>}, {transform_indices = @transform_1, window_bounds = array<i64: 2000, 1>}, {transform_indices = @transform_2, window_bounds = array<i64: 2000, 1>}, {transform_indices = @transform_3, window_bounds = array<i64: 2000, 16>}, {transform_indices = @transform_4, window_bounds = array<i64: 2000, 16>}]} {
    %get3A = arith.constant 0 : index
    %get3A_0 = arith.constant 0 : index
    %get3A_1 = vector.load %arg2[%get3A, %get3A_0] : memref<2000x1xf32, #tpu.memory_space<vmem>>, vector<2000x1xf32>
    %get3A_2 = arith.constant 0 : index
    %get3A_3 = arith.constant 0 : index
    %get3A_4 = vector.load %arg3[%get3A_2, %get3A_3] : memref<2000x1xf32, #tpu.memory_space<vmem>>, vector<2000x1xf32>
    %add3A = arith.addf %get3A_1, %get3A_4 : vector<2000x1xf32>
    %gt3A = arith.constant 0.000000e+00 : f32
    %gt3A_5 = vector.broadcast %gt3A : f32 to vector<2000x1xf32>
    %gt3A_6 = arith.cmpf ogt, %add3A, %gt3A_5 : vector<2000x1xf32>
    %max3A = arith.constant 1.000000e+00 : f32
    %max3A_7 = vector.broadcast %max3A : f32 to vector<2000x1xf32>
    %max3A_8 = arith.maximumf %add3A, %max3A_7 : vector<2000x1xf32>
    %rsqrt3A = math.rsqrt %max3A_8 : vector<2000x1xf32>
    %jit3A = arith.constant 0.000000e+00 : f32
    %broadcast_in_dim3A = vector.broadcast %jit3A : f32 to vector<2000x1xf32>
    %select_n3A = arith.select %gt3A_6, %rsqrt3A, %broadcast_in_dim3A : vector<2000x1xi1>, vector<2000x1xf32>
    %get3A_9 = arith.constant 0 : index
    %get3A_10 = arith.constant 0 : index
    %get3A_11 = vector.load %arg1[%get3A_9, %get3A_10] : memref<2000x30xf32, #tpu.memory_space<vmem>>, vector<2000x30xf32>
    %mul3A = vector.broadcast %select_n3A : vector<2000x1xf32> to vector<2000x30xf32>
    %mul3A_12 = arith.mulf %get3A_11, %mul3A : vector<2000x30xf32>
    %broadcast_in_dim3A_13 = arith.constant 0.000000e+00 : f32
    %broadcast_in_dim3A_14 = vector.broadcast %broadcast_in_dim3A_13 : f32 to vector<2000x1xf32>
    %broadcast_in_dim3A_15 = arith.constant 1.000000e+00 : f32
    %broadcast_in_dim3A_16 = vector.broadcast %broadcast_in_dim3A_15 : f32 to vector<2000x1xf32>
    %slice3A = vector.extract_strided_slice %mul3A_12 {offsets = [0, 0], sizes = [2000, 16], strides = [1, 1]} : vector<2000x30xf32> to vector<2000x16xf32>
    %swap3A = arith.constant 0 : index
    %swap3A_17 = arith.constant 0 : index
    %swap3A_18 = vector.load %arg4[%swap3A, %swap3A_17] : memref<2000x16xf32, #tpu.memory_space<vmem>>, vector<2000x16xf32>
    tpu.vector_store %arg4[%swap3A, %swap3A_17], %slice3A {strides = array<i32>} : memref<2000x16xf32, #tpu.memory_space<vmem>>, vector<2000x16xf32>,
    %slice3A_19 = vector.extract_strided_slice %mul3A_12 {offsets = [0, 16], sizes = [2000, 14], strides = [1, 1]} : vector<2000x30xf32> to vector<2000x14xf32>
    %concatenate3A = tpu.concatenate %slice3A_19, %broadcast_in_dim3A_14, %broadcast_in_dim3A_16 in 1 : vector<2000x14xf32>, vector<2000x1xf32>, vector<2000x1xf32> -> vector<2000x16xf32>
    %swap3A_20 = arith.constant 0 : index
    %swap3A_21 = arith.constant 0 : index
    %swap3A_22 = vector.load %arg5[%swap3A_20, %swap3A_21] : memref<2000x16xf32, #tpu.memory_space<vmem>>, vector<2000x16xf32>
    tpu.vector_store %arg5[%swap3A_20, %swap3A_21], %concatenate3A {strides = array<i32>} : memref<2000x16xf32, #tpu.memory_space<vmem>>, vector<2000x16xf32>,
    return
  }
  func.func @transform_0(%arg0: i32) -> (i32, i32) {
    %c0_i32 = arith.constant 0 : i32
    %c0_i32_0 = arith.constant 0 : i32
    return %arg0, %c0_i32 : i32, i32
  }
  func.func @transform_1(%arg0: i32) -> (i32, i32) {
    %c0_i32 = arith.constant 0 : i32
    %c0_i32_0 = arith.constant 0 : i32
    return %arg0, %c0_i32 : i32, i32
  }
  func.func @transform_2(%arg0: i32) -> (i32, i32) {
    %c0_i32 = arith.constant 0 : i32
    %c0_i32_0 = arith.constant 0 : i32
    return %arg0, %c0_i32 : i32, i32
  }
  func.func @transform_3(%arg0: i32) -> (i32, i32) {
    %c0_i32 = arith.constant 0 : i32
    %c0_i32_0 = arith.constant 0 : i32
    return %arg0, %c0_i32 : i32, i32
  }
  func.func @transform_4(%arg0: i32) -> (i32, i32) {
    %c0_i32 = arith.constant 0 : i32
    %c0_i32_0 = arith.constant 0 : i32
    return %arg0, %c0_i32 : i32, i32
  }
}

module attributes {stable_mosaic.version = 14 : i64} {
  func.func @_head_body(%arg0: i32, %arg1: memref<1000x64xf32, #tpu.memory_space<vmem>>, %arg2: memref<1000x64xf32, #tpu.memory_space<vmem>>, %arg3: memref<1000x128xi8, #tpu.memory_space<vmem>>, %arg4: memref<64x128xf32, #tpu.memory_space<vmem>>, %arg5: memref<64x128xf32, #tpu.memory_space<vmem>>, %arg6: memref<128x128xf32, #tpu.memory_space<vmem>>, %arg7: memref<128x128xf32, #tpu.memory_space<vmem>>, %arg8: memref<1x32xf32, #tpu.memory_space<vmem>>, %arg9: memref<32x16xf32, #tpu.memory_space<vmem>>, %arg10: memref<1x16xf32, #tpu.memory_space<vmem>>, %arg11: memref<16x8xf32, #tpu.memory_space<vmem>>, %arg12: memref<1x8xf32, #tpu.memory_space<vmem>>, %arg13: memref<128x8xf32, #tpu.memory_space<vmem>>, %arg14: memref<128x128xf32, #tpu.memory_space<vmem>>) attributes {dimension_semantics = [#tpu.dimension_semantics<arbitrary>], iteration_bounds = array<i64: 25>, scalar_prefetch = 0 : i64, scratch_operands = 1 : i64, tpu.core_type = #tpu.core_type<tc>, window_params = [{transform_indices = @transform_0, window_bounds = array<i64: 1000, 64>}, {transform_indices = @transform_1, window_bounds = array<i64: 1000, 64>}, {transform_indices = @transform_2, window_bounds = array<i64: 1000, 128>}, {pipeline_mode = #tpu.pipeline_mode<synchronous>, transform_indices = @transform_3, window_bounds = array<i64: 64, 128>}, {pipeline_mode = #tpu.pipeline_mode<synchronous>, transform_indices = @transform_4, window_bounds = array<i64: 64, 128>}, {pipeline_mode = #tpu.pipeline_mode<synchronous>, transform_indices = @transform_5, window_bounds = array<i64: 128, 128>}, {pipeline_mode = #tpu.pipeline_mode<synchronous>, transform_indices = @transform_6, window_bounds = array<i64: 128, 128>}, {pipeline_mode = #tpu.pipeline_mode<synchronous>, transform_indices = @transform_7, window_bounds = array<i64: 1, 32>}, {pipeline_mode = #tpu.pipeline_mode<synchronous>, transform_indices = @transform_8, window_bounds = array<i64: 32, 16>}, {pipeline_mode = #tpu.pipeline_mode<synchronous>, transform_indices = @transform_9, window_bounds = array<i64: 1, 16>}, {pipeline_mode = #tpu.pipeline_mode<synchronous>, transform_indices = @transform_10, window_bounds = array<i64: 16, 8>}, {pipeline_mode = #tpu.pipeline_mode<synchronous>, transform_indices = @transform_11, window_bounds = array<i64: 1, 8>}, {pipeline_mode = #tpu.pipeline_mode<synchronous>, transform_indices = @transform_12, window_bounds = array<i64: 128, 8>}]} {
    %eq3A = arith.constant 0 : i32
    %eq3A_0 = arith.cmpi eq, %arg0, %eq3A : i32
    %convert_element_type3A = arith.extui %eq3A_0 : i1 to i32
    %cond3A = arith.constant 0 : i32
    %cond3A_1 = arith.cmpi ne, %convert_element_type3A, %cond3A : i32
    scf.if %cond3A_1 {
      %broadcast_in_dim3A_57 = arith.constant 0xFF800000 : f32
      %broadcast_in_dim3A_58 = vector.broadcast %broadcast_in_dim3A_57 : f32 to vector<128x128xf32>
      %swap3A = arith.constant 0 : index
      %swap3A_59 = arith.constant 0 : index
      %swap3A_60 = vector.load %arg14[%swap3A, %swap3A_59] : memref<128x128xf32, #tpu.memory_space<vmem>>, vector<128x128xf32>
      tpu.vector_store %arg14[%swap3A, %swap3A_59], %broadcast_in_dim3A_58 {strides = array<i32>} : memref<128x128xf32, #tpu.memory_space<vmem>>, vector<128x128xf32>,
    } else {
    }
    %get3A = arith.constant 0 : index
    %get3A_2 = arith.constant 0 : index
    %get3A_3 = vector.load %arg1[%get3A, %get3A_2] : memref<1000x64xf32, #tpu.memory_space<vmem>>, vector<1000x64xf32>
    %get3A_4 = arith.constant 0 : index
    %get3A_5 = arith.constant 0 : index
    %get3A_6 = vector.load %arg4[%get3A_4, %get3A_5] : memref<64x128xf32, #tpu.memory_space<vmem>>, vector<64x128xf32>
    %dot_general3A = arith.constant dense<0.000000e+00> : vector<1000x128xf32>
    %dot_general3A_7 = tpu.matmul %get3A_3, %get3A_6, %dot_general3A {dimension_numbers = #tpu.dot_dimension_numbers<[1], [0], [0], [1], [0, 0, 1, 1], [], []>, transpose_lhs_hint = false} : vector<1000x64xf32>, vector<64x128xf32>, vector<1000x128xf32> -> vector<1000x128xf32>
    %get3A_8 = arith.constant 0 : index
    %get3A_9 = arith.constant 0 : index
    %get3A_10 = vector.load %arg2[%get3A_8, %get3A_9] : memref<1000x64xf32, #tpu.memory_space<vmem>>, vector<1000x64xf32>
    %get3A_11 = arith.constant 0 : index
    %get3A_12 = arith.constant 0 : index
    %get3A_13 = vector.load %arg5[%get3A_11, %get3A_12] : memref<64x128xf32, #tpu.memory_space<vmem>>, vector<64x128xf32>
    %dot_general3A_14 = arith.constant dense<0.000000e+00> : vector<1000x128xf32>
    %dot_general3A_15 = tpu.matmul %get3A_10, %get3A_13, %dot_general3A_14 {dimension_numbers = #tpu.dot_dimension_numbers<[1], [0], [0], [1], [0, 0, 1, 1], [], []>, transpose_lhs_hint = false} : vector<1000x64xf32>, vector<64x128xf32>, vector<1000x128xf32> -> vector<1000x128xf32>
    %add3A = arith.addf %dot_general3A_7, %dot_general3A_15 : vector<1000x128xf32>
    %get3A_16 = arith.constant 0 : index
    %get3A_17 = arith.constant 0 : index
    %get3A_18 = vector.load %arg6[%get3A_16, %get3A_17] : memref<128x128xf32, #tpu.memory_space<vmem>>, vector<128x128xf32>
    %dot_general3A_19 = arith.constant dense<0.000000e+00> : vector<1000x128xf32>
    %dot_general3A_20 = tpu.matmul %add3A, %get3A_18, %dot_general3A_19 {dimension_numbers = #tpu.dot_dimension_numbers<[1], [0], [0], [1], [0, 0, 1, 1], [], []>, transpose_lhs_hint = false} : vector<1000x128xf32>, vector<128x128xf32>, vector<1000x128xf32> -> vector<1000x128xf32>
    %gt3A = arith.constant 0.000000e+00 : f32
    %gt3A_21 = vector.broadcast %gt3A : f32 to vector<1000x128xf32>
    %gt3A_22 = arith.cmpf ogt, %dot_general3A_20, %gt3A_21 : vector<1000x128xf32>
    %max3A = arith.constant 1.000000e+00 : f32
    %max3A_23 = vector.broadcast %max3A : f32 to vector<1000x128xf32>
    %max3A_24 = arith.maximumf %dot_general3A_20, %max3A_23 : vector<1000x128xf32>
    %rsqrt3A = math.rsqrt %max3A_24 : vector<1000x128xf32>
    %jit3A = arith.constant 0.000000e+00 : f32
    %broadcast_in_dim3A = vector.broadcast %jit3A : f32 to vector<1000x128xf32>
    %select_n3A = arith.select %gt3A_22, %rsqrt3A, %broadcast_in_dim3A : vector<1000x128xi1>, vector<1000x128xf32>
    %mul3A = arith.mulf %add3A, %select_n3A : vector<1000x128xf32>
    %get3A_25 = arith.constant 0 : index
    %get3A_26 = arith.constant 0 : index
    %get3A_27 = vector.load %arg7[%get3A_25, %get3A_26] : memref<128x128xf32, #tpu.memory_space<vmem>>, vector<128x128xf32>
    %dot_general3A_28 = arith.constant dense<0.000000e+00> : vector<1000x128xf32>
    %dot_general3A_29 = tpu.matmul %mul3A, %get3A_27, %dot_general3A_28 {dimension_numbers = #tpu.dot_dimension_numbers<[1], [0], [0], [1], [0, 0, 1, 1], [], []>, transpose_lhs_hint = false} : vector<1000x128xf32>, vector<128x128xf32>, vector<1000x128xf32> -> vector<1000x128xf32>
    %get3A_30 = arith.constant 0 : index
    %get3A_31 = arith.constant 0 : index
    %get3A_32 = vector.load %arg3[%get3A_30, %get3A_31] : memref<1000x128xi8, #tpu.memory_space<vmem>>, vector<1000x128xi8>
    %convert_element_type3A_33 = arith.extsi %get3A_32 : vector<1000x128xi8> to vector<1000x128xi32>
    %reduce_min3A = vector.shape_cast %convert_element_type3A_33 : vector<1000x128xi32> to vector<1x1000x128xi32>
    %reduce_min3A_34 = arith.constant dense<2147483647> : vector<1xi32>
    %reduce_min3A_35 = vector.multi_reduction <minsi>, %reduce_min3A, %reduce_min3A_34 [1, 2] : vector<1x1000x128xi32> to vector<1xi32>
    %reduce_min3A_36 = vector.shape_cast %reduce_min3A_35 : vector<1xi32> to vector<1x1x1xi32>
    %reduce_min3A_37 = vector.extract %reduce_min3A_36[0, 0, 0] : i32 from vector<1x1x1xi32>
    %reduce_max3A = vector.shape_cast %convert_element_type3A_33 : vector<1000x128xi32> to vector<1x1000x128xi32>
    %reduce_max3A_38 = arith.constant dense<-2147483648> : vector<1xi32>
    %reduce_max3A_39 = vector.multi_reduction <maxsi>, %reduce_max3A, %reduce_max3A_38 [1, 2] : vector<1x1000x128xi32> to vector<1xi32>
    %reduce_max3A_40 = vector.shape_cast %reduce_max3A_39 : vector<1xi32> to vector<1x1x1xi32>
    %reduce_max3A_41 = vector.extract %reduce_max3A_40[0, 0, 0] : i32 from vector<1x1x1xi32>
    %add3A_42 = arith.constant 1 : i32
    %add3A_43 = arith.addi %reduce_max3A_41, %add3A_42 : i32
    %while3A = arith.constant 0 : i32
    %while3A_44 = arith.subi %add3A_43, %reduce_min3A_37 : i32
    %while3A_45 = arith.addi %reduce_min3A_37, %while3A_44 : i32
    %while3A_46 = arith.constant 1 : i32
    %while3A_47 = arith.divsi %while3A_44, %while3A_46 : i32
    %while3A_48 = arith.muli %while3A_47, %while3A_46 : i32
    %while3A_49 = arith.addi %reduce_min3A_37, %while3A_48 : i32
    %while3A_50 = arith.constant 1 : i32
    scf.for %while3A_57 = %reduce_min3A_37 to %while3A_49 step %while3A_50  : i32 {
      %convert_element_type3A_58 = arith.trunci %while3A_57 : i32 to i8
      %eq3A_59 = vector.broadcast %convert_element_type3A_58 : i8 to vector<1000x128xi8>
      %eq3A_60 = arith.cmpi eq, %get3A_32, %eq3A_59 : vector<1000x128xi8>
      %jit3A_61 = arith.constant 0xFF800000 : f32
      %broadcast_in_dim3A_62 = vector.broadcast %jit3A_61 : f32 to vector<1000x128xf32>
      %select_n3A_63 = arith.select %eq3A_60, %dot_general3A_29, %broadcast_in_dim3A_62 : vector<1000x128xi1>, vector<1000x128xf32>
      %reduce_max3A_64 = arith.constant dense<0xFF800000> : vector<128xf32>
      %reduce_max3A_65 = vector.multi_reduction <maximumf>, %select_n3A_63, %reduce_max3A_64 [0] : vector<1000x128xf32> to vector<128xf32>
      %broadcast_in_dim3A_66 = vector.shape_cast %reduce_max3A_65 : vector<128xf32> to vector<1x128xf32>
      %get3A_67 = arith.index_cast %while3A_57 : i32 to index
      %get3A_68 = arith.constant 0 : index
      %get3A_69 = vector.load %arg14[%get3A_67, %get3A_68] : memref<128x128xf32, #tpu.memory_space<vmem>>, vector<1x128xf32>
      %max3A_70 = arith.maximumf %get3A_69, %broadcast_in_dim3A_66 : vector<1x128xf32>
      %swap3A = arith.index_cast %while3A_57 : i32 to index
      %swap3A_71 = arith.constant 0 : index
      %swap3A_72 = vector.load %arg14[%swap3A, %swap3A_71] : memref<128x128xf32, #tpu.memory_space<vmem>>, vector<1x128xf32>
      tpu.vector_store %arg14[%swap3A, %swap3A_71], %max3A_70 {strides = array<i32>} : memref<128x128xf32, #tpu.memory_space<vmem>>, vector<1x128xf32>,
    }
    %while3A_51 = arith.constant 1 : i32
    scf.for %while3A_57 = %while3A_49 to %while3A_45 step %while3A_51  : i32 {
      %convert_element_type3A_58 = arith.trunci %while3A_57 : i32 to i8
      %eq3A_59 = vector.broadcast %convert_element_type3A_58 : i8 to vector<1000x128xi8>
      %eq3A_60 = arith.cmpi eq, %get3A_32, %eq3A_59 : vector<1000x128xi8>
      %jit3A_61 = arith.constant 0xFF800000 : f32
      %broadcast_in_dim3A_62 = vector.broadcast %jit3A_61 : f32 to vector<1000x128xf32>
      %select_n3A_63 = arith.select %eq3A_60, %dot_general3A_29, %broadcast_in_dim3A_62 : vector<1000x128xi1>, vector<1000x128xf32>
      %reduce_max3A_64 = arith.constant dense<0xFF800000> : vector<128xf32>
      %reduce_max3A_65 = vector.multi_reduction <maximumf>, %select_n3A_63, %reduce_max3A_64 [0] : vector<1000x128xf32> to vector<128xf32>
      %broadcast_in_dim3A_66 = vector.shape_cast %reduce_max3A_65 : vector<128xf32> to vector<1x128xf32>
      %get3A_67 = arith.index_cast %while3A_57 : i32 to index
      %get3A_68 = arith.constant 0 : index
      %get3A_69 = vector.load %arg14[%get3A_67, %get3A_68] : memref<128x128xf32, #tpu.memory_space<vmem>>, vector<1x128xf32>
      %max3A_70 = arith.maximumf %get3A_69, %broadcast_in_dim3A_66 : vector<1x128xf32>
      %swap3A = arith.index_cast %while3A_57 : i32 to index
      %swap3A_71 = arith.constant 0 : index
      %swap3A_72 = vector.load %arg14[%swap3A, %swap3A_71] : memref<128x128xf32, #tpu.memory_space<vmem>>, vector<1x128xf32>
      tpu.vector_store %arg14[%swap3A, %swap3A_71], %max3A_70 {strides = array<i32>} : memref<128x128xf32, #tpu.memory_space<vmem>>, vector<1x128xf32>,
    }
    %eq3A_52 = arith.constant 24 : i32
    %eq3A_53 = arith.cmpi eq, %arg0, %eq3A_52 : i32
    %convert_element_type3A_54 = arith.extui %eq3A_53 : i1 to i32
    %cond3A_55 = arith.constant 0 : i32
    %cond3A_56 = arith.cmpi ne, %convert_element_type3A_54, %cond3A_55 : i32
    scf.if %cond3A_56 {
      %get3A_57 = arith.constant 0 : index
      %get3A_58 = arith.constant 0 : index
      %get3A_59 = vector.load %arg14[%get3A_57, %get3A_58] : memref<128x128xf32, #tpu.memory_space<vmem>>, vector<128x128xf32>
      %slice3A = vector.extract_strided_slice %get3A_59 {offsets = [0, 0], sizes = [128, 32], strides = [1, 1]} : vector<128x128xf32> to vector<128x32xf32>
      %slice3A_60 = vector.extract_strided_slice %get3A_59 {offsets = [0, 32], sizes = [128, 32], strides = [1, 1]} : vector<128x128xf32> to vector<128x32xf32>
      %max3A_61 = arith.maximumf %slice3A, %slice3A_60 : vector<128x32xf32>
      %slice3A_62 = vector.extract_strided_slice %get3A_59 {offsets = [0, 64], sizes = [128, 32], strides = [1, 1]} : vector<128x128xf32> to vector<128x32xf32>
      %slice3A_63 = vector.extract_strided_slice %get3A_59 {offsets = [0, 96], sizes = [128, 32], strides = [1, 1]} : vector<128x128xf32> to vector<128x32xf32>
      %max3A_64 = arith.maximumf %slice3A_62, %slice3A_63 : vector<128x32xf32>
      %max3A_65 = arith.maximumf %max3A_61, %max3A_64 : vector<128x32xf32>
      %is_finite3A = tpu.weird %max3A_65 : vector<128x32xf32> -> vector<128x32xi1>
      %is_finite3A_66 = arith.constant dense<true> : vector<128x32xi1>
      %is_finite3A_67 = arith.xori %is_finite3A, %is_finite3A_66 : vector<128x32xi1>
      %get3A_68 = arith.constant 0 : index
      %get3A_69 = arith.constant 0 : index
      %get3A_70 = vector.load %arg8[%get3A_68, %get3A_69] : memref<1x32xf32, #tpu.memory_space<vmem>>, vector<1x32xf32>
      %add3A_71 = vector.broadcast %get3A_70 : vector<1x32xf32> to vector<128x32xf32>
      %add3A_72 = arith.addf %max3A_65, %add3A_71 : vector<128x32xf32>
      %jit3A_73 = arith.constant 0.000000e+00 : f32
      %broadcast_in_dim3A_74 = vector.broadcast %jit3A_73 : f32 to vector<128x32xf32>
      %select_n3A_75 = arith.select %is_finite3A_67, %add3A_72, %broadcast_in_dim3A_74 : vector<128x32xi1>, vector<128x32xf32>
      %get3A_76 = arith.constant 0 : index
      %get3A_77 = arith.constant 0 : index
      %get3A_78 = vector.load %arg9[%get3A_76, %get3A_77] : memref<32x16xf32, #tpu.memory_space<vmem>>, vector<32x16xf32>
      %dot_general3A_79 = arith.constant dense<0.000000e+00> : vector<128x16xf32>
      %dot_general3A_80 = tpu.matmul %select_n3A_75, %get3A_78, %dot_general3A_79 {dimension_numbers = #tpu.dot_dimension_numbers<[1], [0], [0], [1], [0, 0, 1, 1], [], []>, transpose_lhs_hint = false} : vector<128x32xf32>, vector<32x16xf32>, vector<128x16xf32> -> vector<128x16xf32>
      %get3A_81 = arith.constant 0 : index
      %get3A_82 = arith.constant 0 : index
      %get3A_83 = vector.load %arg10[%get3A_81, %get3A_82] : memref<1x16xf32, #tpu.memory_space<vmem>>, vector<1x16xf32>
      %add3A_84 = vector.broadcast %get3A_83 : vector<1x16xf32> to vector<128x16xf32>
      %add3A_85 = arith.addf %dot_general3A_80, %add3A_84 : vector<128x16xf32>
      %max3A_86 = arith.constant 0.000000e+00 : f32
      %max3A_87 = vector.broadcast %max3A_86 : f32 to vector<128x16xf32>
      %max3A_88 = arith.maximumf %add3A_85, %max3A_87 : vector<128x16xf32>
      %get3A_89 = arith.constant 0 : index
      %get3A_90 = arith.constant 0 : index
      %get3A_91 = vector.load %arg11[%get3A_89, %get3A_90] : memref<16x8xf32, #tpu.memory_space<vmem>>, vector<16x8xf32>
      %dot_general3A_92 = arith.constant dense<0.000000e+00> : vector<128x8xf32>
      %dot_general3A_93 = tpu.matmul %max3A_88, %get3A_91, %dot_general3A_92 {dimension_numbers = #tpu.dot_dimension_numbers<[1], [0], [0], [1], [0, 0, 1, 1], [], []>, transpose_lhs_hint = false} : vector<128x16xf32>, vector<16x8xf32>, vector<128x8xf32> -> vector<128x8xf32>
      %get3A_94 = arith.constant 0 : index
      %get3A_95 = arith.constant 0 : index
      %get3A_96 = vector.load %arg12[%get3A_94, %get3A_95] : memref<1x8xf32, #tpu.memory_space<vmem>>, vector<1x8xf32>
      %add3A_97 = vector.broadcast %get3A_96 : vector<1x8xf32> to vector<128x8xf32>
      %add3A_98 = arith.addf %dot_general3A_93, %add3A_97 : vector<128x8xf32>
      %logistic3A = arith.negf %add3A_98 : vector<128x8xf32>
      %logistic3A_99 = math.exp %logistic3A : vector<128x8xf32>
      %logistic3A_100 = arith.constant 1.000000e+00 : f32
      %logistic3A_101 = vector.broadcast %logistic3A_100 : f32 to vector<128x8xf32>
      %logistic3A_102 = arith.addf %logistic3A_101, %logistic3A_99 : vector<128x8xf32>
      %logistic3A_103 = arith.divf %logistic3A_101, %logistic3A_102 : vector<128x8xf32>
      %swap3A = arith.constant 0 : index
      %swap3A_104 = arith.constant 0 : index
      %swap3A_105 = vector.load %arg13[%swap3A, %swap3A_104] : memref<128x8xf32, #tpu.memory_space<vmem>>, vector<128x8xf32>
      tpu.vector_store %arg13[%swap3A, %swap3A_104], %logistic3A_103 {strides = array<i32>} : memref<128x8xf32, #tpu.memory_space<vmem>>, vector<128x8xf32>,
    } else {
    }
    return
  }
  func.func @transform_0(%arg0: i32) -> (i32, i32) {
    %c0_i32 = arith.constant 0 : i32
    %c0_i32_0 = arith.constant 0 : i32
    return %arg0, %c0_i32 : i32, i32
  }
  func.func @transform_1(%arg0: i32) -> (i32, i32) {
    %c0_i32 = arith.constant 0 : i32
    %c0_i32_0 = arith.constant 0 : i32
    return %arg0, %c0_i32 : i32, i32
  }
  func.func @transform_2(%arg0: i32) -> (i32, i32) {
    %c0_i32 = arith.constant 0 : i32
    %c0_i32_0 = arith.constant 0 : i32
    return %arg0, %c0_i32 : i32, i32
  }
  func.func @transform_3(%arg0: i32) -> (i32, i32) {
    %c0_i32 = arith.constant 0 : i32
    %c0_i32_0 = arith.constant 0 : i32
    %c0_i32_1 = arith.constant 0 : i32
    return %c0_i32, %c0_i32_0 : i32, i32
  }
  func.func @transform_4(%arg0: i32) -> (i32, i32) {
    %c0_i32 = arith.constant 0 : i32
    %c0_i32_0 = arith.constant 0 : i32
    %c0_i32_1 = arith.constant 0 : i32
    return %c0_i32, %c0_i32_0 : i32, i32
  }
  func.func @transform_5(%arg0: i32) -> (i32, i32) {
    %c0_i32 = arith.constant 0 : i32
    %c0_i32_0 = arith.constant 0 : i32
    %c0_i32_1 = arith.constant 0 : i32
    return %c0_i32, %c0_i32_0 : i32, i32
  }
  func.func @transform_6(%arg0: i32) -> (i32, i32) {
    %c0_i32 = arith.constant 0 : i32
    %c0_i32_0 = arith.constant 0 : i32
    %c0_i32_1 = arith.constant 0 : i32
    return %c0_i32, %c0_i32_0 : i32, i32
  }
  func.func @transform_7(%arg0: i32) -> (i32, i32) {
    %c0_i32 = arith.constant 0 : i32
    %c0_i32_0 = arith.constant 0 : i32
    %c0_i32_1 = arith.constant 0 : i32
    return %c0_i32, %c0_i32_0 : i32, i32
  }
  func.func @transform_8(%arg0: i32) -> (i32, i32) {
    %c0_i32 = arith.constant 0 : i32
    %c0_i32_0 = arith.constant 0 : i32
    %c0_i32_1 = arith.constant 0 : i32
    return %c0_i32, %c0_i32_0 : i32, i32
  }
  func.func @transform_9(%arg0: i32) -> (i32, i32) {
    %c0_i32 = arith.constant 0 : i32
    %c0_i32_0 = arith.constant 0 : i32
    %c0_i32_1 = arith.constant 0 : i32
    return %c0_i32, %c0_i32_0 : i32, i32
  }
  func.func @transform_10(%arg0: i32) -> (i32, i32) {
    %c0_i32 = arith.constant 0 : i32
    %c0_i32_0 = arith.constant 0 : i32
    %c0_i32_1 = arith.constant 0 : i32
    return %c0_i32, %c0_i32_0 : i32, i32
  }
  func.func @transform_11(%arg0: i32) -> (i32, i32) {
    %c0_i32 = arith.constant 0 : i32
    %c0_i32_0 = arith.constant 0 : i32
    %c0_i32_1 = arith.constant 0 : i32
    return %c0_i32, %c0_i32_0 : i32, i32
  }
  func.func @transform_12(%arg0: i32) -> (i32, i32) {
    %c0_i32 = arith.constant 0 : i32
    %c0_i32_0 = arith.constant 0 : i32
    %c0_i32_1 = arith.constant 0 : i32
    return %c0_i32, %c0_i32_0 : i32, i32
  }
}

</mosaic_0001>

<sc_bundles>
// kernel: kernel.6.cloned.1.call-start
scs
__scs_entry_jumppad:
0x0: {  	(pc) =	sbr.rel $0x88, $3  }
0x1: {  	(tag) =	ssettag $0x0;
	lr =	simm.s32 $0x1  }
0x2: {  	[smem:$0x3F98] =	sst lr;
	_ =	strace $0xD0000000  }
0x3: {  	_ = 	snop  }
0x4: {  	_ = 	snop  }
0x5: {  	_ = 	snop  }
0x6: {  	_ = 	snop  }
0x7: {  	_ = 	snop  }
__scs_overlays_trampoline_lowered:
0x8: {  	[smem:$0x3FA7] =	sst s0  }
0x9: {  	[smem:$0x3FA8] =	sst s1  }
0xa: {  	[smem:$0x3FA9] =	sst s2  }
0xb: {  	[smem:$0x3FAA] =	sst s3  }
0xc: {  	[smem:$0x3FAB] =	sst s4  }
0xd: {  	[smem:$0x3FAC] =	sst s5  }
0xe: {  	[smem:$0x3FAD] =	sst s6  }
0xf: {  	[smem:$0x3FAE] =	sst s7  }
0x10: {  	[smem:$0x3FAF] =	sst s8  }
0x11: {  	[smem:$0x3FB0] =	sst s9;
	s0 =	simm.s32 @!p0 $0x0  }
0x12: {  	s1 =	sld [smem:$0x3F96];
	s0 =	simm.s32 @p0 $0x1  }
0x13: {  	[smem:$0x3FB1] =	sst s0;
	s0 =	simm.s32 @!p1 $0x0  }
0x14: {  	s2 =	sld [smem:$0x3F95];
	s0 =	simm.s32 @p1 $0x1  }
0x15: {  	[smem:$0x3FB2] =	sst s0;
	s0 =	simm.s32 @!p2 $0x0  }
0x16: {  	s3 =	sld [smem:$0x3FDB];
	s0 =	simm.s32 @p2 $0x1  }
0x17: {  	s4 =	simm.s32 $0x1BF5;
	[smem:$0x3FB4] =	sst s0  }
0x18: {  	s0 =	sld [smem:$0x3F97];
	_ =	swait.ge [sflag:s4], $0x0  }
0x19: {  	s7 =	sld [smem:$0x3F98]  }
0x1a: {  	s8 =	sadd.s32 $0xFFFFE003, lr  }
0x1b: {  	s9 =	sadd.s32 $0xFFFFFEF7, lr;
	s5 =	simm.s32 $0xFFFFFFFF;
	p2 =	slt.u32 s8, $0xFFFFF086  }
0x1c: {  	p1 =	slt.u32 s9, $0xF7A;
	s5 =	simm.s32 @!p2 $0x0  }
0x1d: {  	s5 =	simm.s32 @p1 $0x1;
	p0 =	seq.s32 s7, s2  }
0x1e: {  	s7 =	smul.u32 @!p0 $0xF7A, s2;
	p2 =	seq.s32 @!p0 s5, $0x0  }
0x1f: {  	s9 =	smul.u32 $0xF7A, s1;
	s8 =	simm.s32 @!p0 $0x1BF5;
	p2 =	por !p2, p0  }
0x20: {  	[sflag:s8] =	ssyncset.s32 @!p0 $0xFFFFF086;
	s6 =	sadd.s32 @!p0 s3, s7;
	s7 =	simm.s32 @!p0 $0x108  }
0x21: {  	s3 =	sadd.s32 s3, s9;
	s6 =	sadd.s32 @!p0 $0x88, s6;
	s7 =	simm.s32 @p2 $0x1082  }
0x22: {  	[simem:s7], [sflag:s8] =	dma.local @!p0 [hbm:s6], $0xF7A  }
0x23: {  	s9 =	sor.u32 $0xD0000000, s2;
	s6 =	simm.s32 $0x108;
	_ =	swait.ge @!p0 [sflag:s8], $0x0  }
0x24: {  	s3 =	sadd.s32 $0x88, s3;
	s6 =	simm.s32 @!p1 $0x1082;
	[sflag:s4] =	ssyncset.s32 $0xFFFFF086  }
0x25: {  	[simem:s6], [sflag:s4] =	dma.local [hbm:s3], $0xF7A  }
0x26: {  	[smem:$0x3F98] =	sst s1;
	(tag) =	ssettag s2;
	_ =	strace s9  }
0x27: {  	s1 =	sld [smem:$0x3FA8]  }
0x28: {  	s2 =	sld [smem:$0x3FA9]  }
0x29: {  	s4 =	sld [smem:$0x3FAB]  }
0x2a: {  	p0 =	seq.s32 s5, $0x0;
	s5 =	sld [smem:$0x3FAC]  }
0x2b: {  	s6 =	sld [smem:$0x3FAD]  }
0x2c: {  	s7 =	sld [smem:$0x3FAE]  }
0x2d: {  	s3 =	simm.s32 $0x108;
	s8 =	sld [smem:$0x3FAF]  }
0x2e: {  	s3 =	simm.s32 @!p0 $0x1082;
	s9 =	sld [smem:$0x3FB0]  }
0x2f: {  	lr =	sadd.s32 s0, s3;
	s0 =	sld [smem:$0x3FA7]  }
0x30: {  	s3 =	sld [smem:$0x3FAA]  }
0x31: {  	[smem:$0x3FB3] =	sst s10  }
0x32: {  	s10 =	sld [smem:$0x3FB1];
	_ =	sdelay $0x3  }
0x33: {  	p0 =	seq.s32 s10, $0x1;
	s10 =	sld [smem:$0x3FB3];
	_ =	sdelay $0x3  }
0x34: {  	[smem:$0x3FB3] =	sst s10  }
0x35: {  	s10 =	sld [smem:$0x3FB2];
	_ =	sdelay $0x3  }
0x36: {  	p1 =	seq.s32 s10, $0x1;
	s10 =	sld [smem:$0x3FB3];
	_ =	sdelay $0x3  }
0x37: {  	[smem:$0x3FB3] =	sst s10  }
0x38: {  	s10 =	sld [smem:$0x3FB4]  }
0x39: {  	_ = 	snop;
	(pc) =	sbr.ind lr, $3  }
0x3a: {  	_ = 	snop  }
0x3b: {  	_ = 	snop  }
0x3c: {  	p2 =	seq.s32 s10, $0x1;
	s10 =	sld [smem:$0x3FB3]  }
0x3d: {  	_ =	shalt  }
0x3e: {  	_ =	shalt  }
0x3f: {  	_ =	shalt  }
0x40: {  	_ =	shalt  }
0x41: {  	_ =	shalt  }
0x42: {  	_ =	shalt  }
0x43: {  	_ =	shalt  }
0x44: {  	_ =	shalt  }
0x45: {  	_ =	shalt  }
0x46: {  	_ =	shalt  }
0x47: {  	_ =	shalt  }
0x48: {  	_ =	shalt  }
0x49: {  	_ =	shalt  }
0x4a: {  	_ =	shalt  }
0x4b: {  	_ =	shalt  }
0x4c: {  	_ =	shalt  }
0x4d: {  	_ =	shalt  }
0x4e: {  	_ =	shalt  }
0x4f: {  	_ =	shalt  }
0x50: {  	_ =	shalt  }
0x51: {  	_ =	shalt  }
0x52: {  	_ =	shalt  }
0x53: {  	_ =	shalt  }
0x54: {  	_ =	shalt  }
0x55: {  	_ =	shalt  }
0x56: {  	_ =	shalt  }
0x57: {  	_ =	shalt  }
0x58: {  	_ =	shalt  }
0x59: {  	_ =	shalt  }
0x5a: {  	_ =	shalt  }
0x5b: {  	_ =	shalt  }
0x5c: {  	_ =	shalt  }
0x5d: {  	_ =	shalt  }
0x5e: {  	_ =	shalt  }
0x5f: {  	_ =	shalt  }
0x60: {  	_ =	shalt  }
0x61: {  	_ =	shalt  }
0x62: {  	_ =	shalt  }
0x63: {  	_ =	shalt  }
0x64: {  	_ =	shalt  }
0x65: {  	_ =	shalt  }
0x66: {  	_ =	shalt  }
0x67: {  	_ =	shalt  }
0x68: {  	_ =	shalt  }
0x69: {  	_ =	shalt  }
0x6a: {  	_ =	shalt  }
0x6b: {  	_ =	shalt  }
0x6c: {  	_ =	shalt  }
0x6d: {  	_ =	shalt  }
0x6e: {  	_ =	shalt  }
0x6f: {  	_ =	shalt  }
0x70: {  	_ =	shalt  }
0x71: {  	_ =	shalt  }
0x72: {  	_ =	shalt  }
0x73: {  	_ =	shalt  }
0x74: {  	_ =	shalt  }
0x75: {  	_ =	shalt  }
0x76: {  	_ =	shalt  }
0x77: {  	_ =	shalt  }
0x78: {  	_ =	shalt  }
0x79: {  	_ =	shalt  }
0x7a: {  	_ =	shalt  }
0x7b: {  	_ =	shalt  }
0x7c: {  	_ =	shalt  }
0x7d: {  	_ =	shalt  }
0x7e: {  	_ =	shalt  }
0x7f: {  	_ =	shalt  }
0x80: {  	_ =	shalt  }
0x81: {  	_ =	shalt  }
0x82: {  	_ =	shalt  }
0x83: {  	_ =	shalt  }
0x84: {  	_ =	shalt  }
0x85: {  	_ =	shalt  }
0x86: {  	_ =	shalt  }
0x87: {  	_ =	shalt  }
.Lfunc_end0:
.L_simem_size_0:
called_computation_lowered:
.L_overlay_start_0:
0x88: {  	s2 =	sld [smem:$0x3FD9]  }
0x89: {  	s3 =	sld [smem:$0x3FFE];
	_ =	sdelay $0x1  }
0x8a: {  	s1 =	srdreg.scid  }
0x8b: {  	s0 =	sand.u32 $0x1, s1  }
0x8c: {  	s16 =	sshll.u32 s0, $0xA;
	s2 =	sadd.s32 s3, s2  }
0x8d: {  	s2 =	sadd.s32 s2, s16  }
0x8e: {  	[smem:$0x3FBF] =	sst s2  }
0x8f: {  	_ = 	snop  }
0x90: {  	(tm) =	ssettm $0x1  }
0x91: {  	s17 =	sld [smem:$0x3FFB];
	_ =	sdelay $0x3  }
0x92: {  	_ =	strace s17  }
0x93: {  	s2 =	sld [smem:$0x3FFC];
	_ =	sdelay $0x3  }
0x94: {  	_ =	strace s2  }
0x95: {  	s2 =	sld [smem:$0x3FFD];
	_ =	sdelay $0x3  }
0x96: {  	_ =	strace s2  }
0x97: {  	_ =	strace $0x8FFFFFFF  }
0x98: {  	s18 =	sld [smem:$0x3FDB];
	_ =	sdelay $0x1  }
0x99: {  	s19 =	simm.s32 $_scs_section_size  }
0x9a: {  	s4 =	simm.s32 $_size__tile_overlayer_lowered;
	s5 =	simm.s32 $_tile_overlayer_lowered  }
0x9b: {  	s22 =	simm.s32 $0x1BFF;
	s21 =	sshll.u32 s5, $0x1;
	s2 =	sadd.s32 s19, s18  }
0x9c: {  	s6 =	simm.s32 $0x0;
	s20 =	sshll.u32 s4, $0x1;
	s4 =	sadd.s32 s21, s2  }
0x9d: {  	[timem:s6], [sflag:s22] =	dma.local [hbm:s4], s20  }
0x9e: {  	_ =	swait.ge [sflag:s22], s20  }
0x9f: {  	s3 =	ssub.s32 $0x0, s20;
	[sflag:s22] =	ssyncset.done $0x0  }
0xa0: {  	[sflag:s22] =	ssyncadd.s32 s3;
	_ =	sdelay $0x1  }
0xa1: {  	s23 =	simm.s32 $0x1B8B  }
0xa2: {  	_ =	swait.ge [sflag:s23], $0x1  }
0xa3: {  	[sflag:s23] =	ssyncset.done $0x0  }
0xa4: {  	s25 =	simm.s32 $0x1B8E;
	s24 =	sld [smem:$0x3FFE];
	[sflag:s23] =	ssyncadd.s32 $0xFFFFFFFF  }
0xa5: {  	s26 =	simm.s32 $execute0_lowered;
	[smem:$0x3FD2] =	sst s25  }
0xa6: {  	s4 =	sshll.u32 s26, $0x1;
	_ =	strace $0x80000046;
	[dreg:$0x1] =	wrdreg $0xFFFFFFFF  }
0xa7: {  	s28 =	simm.s32 $_size_execute0_lowered;
	s2 =	sadd.s32 s2, s4;
	[dreg:$0x0] =	wrdreg $0x0  }
0xa8: {  	s4 =	sshll.u32 s28, $0x1;
	[dreg:$0x2] =	wrdreg s2  }
0xa9: {  	[dreg:$0x3] =	wrdreg s4  }
0xaa: {  	[dreg:$0x4] =	wrdreg $0xC0  }
0xab: {  	_ =	task [dreg:s6], $0x5FFFF  }
0xac: {  	[dreg:$0x1] =	wrdreg $0xFFFFFFFF  }
0xad: {  	[dreg:$0x0] =	wrdreg $0x60  }
0xae: {  	[dreg:$0x2] =	wrdreg s24  }
0xaf: {  	[dreg:$0x3] =	wrdreg $0x0  }
0xb0: {  	[dreg:$0x4] =	wrdreg $0x9  }
0xb1: {  	_ =	task.clear_ibuf [dreg:s6], $0x5FFFF;
	_ =	strace $0x90000046  }
0xb2: {  	s29 =	simm.s32 $0x9;
	_ =	strace $0x80000048  }
0xb3: {  	_ =	swait.ge [sflag:s29], $0x1  }
0xb4: {  	[sflag:s29] =	ssyncadd.s32 $0xFFFFFFFF  }
0xb5: {  	_ =	strace $0x90000048  }
0xb6: {  	_ =	sfence  }
0xb7: {  	s30 =	sld [smem:$0x0];
	_ =	sdelay $0x2  }
0xb8: {  	s31 =	sshll.u32 s1, $0xD;
	s1 =	sshrl.u32 s1, $0x2  }
0xb9: {  	s3 =	sand.u32 $0x4000, s31;
	s1 =	sadd.s32 s1, s30  }
0xba: {  	s0 =	sor.u32 s3, s0;
	s1 =	sshll.u32 s1, $0x11  }
0xbb: {  	s0 =	sor.u32 s1, s0  }
0xbc: {  	s0 =	sadd.s32 $0x8F2B, s0  }
0xbd: {  	[sflag:s0] =	ssyncadd.remote.s32 $0x1  }
0xbe: {  	_ =	sfence.sel $0xFFFF  }
0xbf: {  	[dreg:$0x0] =	wrdreg $0xFFFFFFFF;
	(pc) =	sbr.abs _section_cstart, $3  }
0xc0: {  	[dreg:$0x1] =	wrdreg $0xFFFFFFFF  }
0xc1: {  	_ =	task.clear_ibuf [dreg:s6], $0x2FFFF;
	_ =	strace $0x9FFFFFFF  }
0xc2: {  	(tm) =	ssettm $0x7FFFFFFF  }
0xc3: {  	_ =	shalt  }
tec
execute0_lowered:
.L_overlay_start_1:
0x0: {  	(tag) =	ssettag $0x1  }
0x1: {  	s4 =	rddreg [dreg:$0x0]  }
0x2: {  	s2 =	rddreg [dreg:$0x1]  }
0x3: {  	s0 =	rddreg [dreg:$0x2];
	s3 =	simm.s32 $0x0  }
0x4: {  	s1 =	stileid.u32;
	s6 =	srdreg.scid;
	s14 =	simm.s32 $0x1C80  }
0x5: {  	s15 =	simm.s32 $0x0;
	[smem:$0x7FF] =	sst s3;
	s5 =	smul.u32 $0x1880, s1  }
0x6: {  	s6 =	sand.u32 $0x1, s6;
	s10 =	sadd.s32 $0x33200, s4;
	s28 =	smul.u32 $0xC350, s1  }
0x7: {  	s30 =	sshll.u32 s1, $0x6;
	_ =	strace $0x80000047;
	s8 =	smul.u32 $0x18800, s6  }
0x8: {  	s9 =	sshll.u32 s6, $0x4;
	s11 =	ssub.s32 $0x2, s6;
	s6 =	smul.u32 $0xC3500, s6  }
0x9: {  	s7 =	sshrl.u32 s5, $0x3;
	s9 =	sor.u32 s1, s9;
	s12 =	sshrl.u32 s11, $0x1  }
0xa: {  	s13 =	sadd.s32 s5, s2;
	s7 =	sadd.s32 s7, s4;
	s8 =	sadd.s32 s5, s8  }
0xb: {  	s9 =	smul.u32 $0xC350, s9;
	s11 =	ssub.s32 s11, s12;
	s12 =	sadd.s32 s28, s6  }
0xc: {  	s5 =	sor.u32 $0x1C01, s30;
	s8 =	sshrl.u32 s8, $0x3;
	s31 =	sshrl.u32 s12, $0x3  }
0xd: {  	s12 =	simm.s32 $0x1880;
	s8 =	sadd.s32 s8, s4;
	s29 =	sshrl.u32 s9, $0x3  }
0xe: {  	s4 =	sadd.s32 $0x64000, s7;
	s9 =	sadd.s32 s10, s29;
	s7 =	sadd.s32 $0x67200, s8  }
0xf: {  	s8 =	smax.u32 s11, $0x1;
	s11 =	simm.s32 $0x1;
	s6 =	sadd.s32 $0x1800, s9  }
0x10: {  	v0 =	vimm.f32 $1.000000000e+00;
	v1 =	vimm.s32 $0x186A0;
	s9 =	sadd.s32 s31, s10;
	s10 =	sshrl.u32 s13, $0x3;
	s13 =	simm.s32 $0x400  }
.LBB2_1:
0x11: {  	[spmem:s10], [sflag:s5] =	dma.local [hbm:s4], $0x310  }
0x12: {  	_ =	swait.ge [sflag:s11], $0x310  }
0x13: {  	[sflag:s11] =	ssyncset.done $0x0  }
0x14: {  	[sflag:s11] =	ssyncadd.s32 $0xFFFFFCF0  }
0x15: {  	[tilespmem:$0x1C80] =	vst v0  }
0x16: {  	[tilespmem:$0x1C90] =	vst v0  }
0x17: {  	[tilespmem:$0x1CA0] =	vst v0  }
0x18: {  	[tilespmem:$0x1CB0] =	vst v0  }
0x19: {  	[tilespmem:$0x1CC0] =	vst v0  }
0x1a: {  	[tilespmem:$0x1CD0] =	vst v0  }
0x1b: {  	[tilespmem:$0x1CE0] =	vst v0  }
0x1c: {  	[tilespmem:$0x1CF0] =	vst v0  }
0x1d: {  	[tilespmem:$0x1D00] =	vst v0  }
0x1e: {  	[tilespmem:$0x1D10] =	vst v0  }
0x1f: {  	[tilespmem:$0x1D20] =	vst v0  }
0x20: {  	[tilespmem:$0x1D30] =	vst v0  }
0x21: {  	[tilespmem:$0x1D40] =	vst v0  }
0x22: {  	[tilespmem:$0x1D50] =	vst v0  }
0x23: {  	[tilespmem:$0x1D60] =	vst v0  }
0x24: {  	[tilespmem:$0x1D70] =	vst v0  }
0x25: {  	[tilespmem:$0x1D80] =	vst v0  }
0x26: {  	[tilespmem:$0x1D90] =	vst v0  }
0x27: {  	[tilespmem:$0x1DA0] =	vst v0  }
0x28: {  	[tilespmem:$0x1DB0] =	vst v0  }
0x29: {  	[tilespmem:$0x1DC0] =	vst v0  }
0x2a: {  	[tilespmem:$0x1DD0] =	vst v0  }
0x2b: {  	[tilespmem:$0x1DE0] =	vst v0  }
0x2c: {  	[tilespmem:$0x1DF0] =	vst v0  }
0x2d: {  	[tilespmem:$0x1E00] =	vst v0  }
0x2e: {  	[tilespmem:$0x1E10] =	vst v0  }
0x2f: {  	[tilespmem:$0x1E20] =	vst v0  }
0x30: {  	[tilespmem:$0x1E30] =	vst v0  }
0x31: {  	[tilespmem:$0x1E40] =	vst v0  }
0x32: {  	[tilespmem:$0x1E50] =	vst v0  }
0x33: {  	[tilespmem:$0x1E60] =	vst v0  }
0x34: {  	[tilespmem:$0x1E70] =	vst v0  }
0x35: {  	[tilespmem:$0x1E80] =	vst v0  }
0x36: {  	[tilespmem:$0x1E90] =	vst v0  }
0x37: {  	[tilespmem:$0x1EA0] =	vst v0  }
0x38: {  	[tilespmem:$0x1EB0] =	vst v0  }
0x39: {  	[tilespmem:$0x1EC0] =	vst v0  }
0x3a: {  	[tilespmem:$0x1ED0] =	vst v0  }
0x3b: {  	[tilespmem:$0x1EE0] =	vst v0  }
0x3c: {  	[tilespmem:$0x1EF0] =	vst v0  }
0x3d: {  	[tilespmem:$0x1F00] =	vst v0  }
0x3e: {  	[tilespmem:$0x1F10] =	vst v0  }
0x3f: {  	[tilespmem:$0x1F20] =	vst v0  }
0x40: {  	[tilespmem:$0x1F30] =	vst v0  }
0x41: {  	[tilespmem:$0x1F40] =	vst v0  }
0x42: {  	[tilespmem:$0x1F50] =	vst v0  }
0x43: {  	[tilespmem:$0x1F60] =	vst v0  }
0x44: {  	[tilespmem:$0x1F70] =	vst v0  }
0x45: {  	[tilespmem:$0x1F80] =	vst v0  }
0x46: {  	[tilespmem:$0x1F90] =	vst v0  }
0x47: {  	[tilespmem:$0x1FA0] =	vst v0  }
0x48: {  	[tilespmem:$0x1FB0] =	vst v0  }
0x49: {  	[tilespmem:$0x1FC0] =	vst v0  }
0x4a: {  	[tilespmem:$0x1FD0] =	vst v0  }
0x4b: {  	[tilespmem:$0x1FE0] =	vst v0  }
0x4c: {  	[tilespmem:$0x1FF0] =	vst v0  }
0x4d: {  	[tilespmem:$0x2000] =	vst v0  }
0x4e: {  	[tilespmem:$0x2010] =	vst v0  }
0x4f: {  	[tilespmem:$0x2020] =	vst v0  }
0x50: {  	[tilespmem:$0x2030] =	vst v0  }
0x51: {  	[tilespmem:$0x2040] =	vst v0  }
0x52: {  	[tilespmem:$0x2050] =	vst v0  }
0x53: {  	[tilespmem:$0x2060] =	vst v0  }
0x54: {  	[tilespmem:$0x2070] =	vst v0  }
0x55: {  	s16 =	sadd.s32 $0x0, s9;
	[bflag:$0x0] =	sbarrier.arrive $0xFFFF  }
0x56: {  	[tilespmem:s12], [sflag:$0x1] =	stream.linear.gather [hbm4b:s16+s3], $0x400, $0x38;
	[tilespmem:$0x2080] =	vst v63  }
0x57: {  	_ =	swait.ge [sflag:s11], $0x400  }
0x58: {  	[sflag:s11] =	ssyncset.done $0x0  }
0x59: {  	[sflag:s11] =	ssyncadd.s32 $0xFFFFFC00  }
0x5a: {  	[spmem:s2] =	stream.indirect.scatter.add.f32 [tilespmem:s14], [sflag:$0x1], $0x1, s12, s13, $0xb8;
	[tilespmem:$0x2080] =	vst v63  }
0x5b: {  	_ =	swait.ge [sflag:s11], $0x400  }
0x5c: {  	s17 =	simm.s32 $0x100;
	s16 =	simm.s32 $0x80;
	[sflag:s11] =	ssyncset.done $0x0  }
.LBB2_2:
0x5d: {  	s18 =	sadd.s32 s16, s9  }
0x5e: {  	[sflag:s11] =	ssyncadd.s32 $0xFFFFFC00;
	s16 =	smov.u32 s17;
	s19 =	sadd.s32 $0x80, s17  }
0x5f: {  	[tilespmem:s12], [sflag:$0x1] =	stream.linear.gather [hbm4b:s18+s3], $0x400, $0x38;
	[tilespmem:$0x2080] =	vst v63  }
0x60: {  	p0 =	sne.s32 s17, $0x1780;
	_ =	swait.ge [sflag:s11], $0x400  }
.Ltmp0:
0x61: {  	[sflag:s11] =	ssyncset.done $0x0;
	(pc) =	sbr.rel @p0 .LBB2_2-.Ltmp0, $4  }
0x62: {  	[sflag:s11] =	ssyncadd.s32 $0xFFFFFC00  }
0x63: {  	[spmem:s2] =	stream.indirect.scatter.add.f32 [tilespmem:s14], [sflag:$0x1], $0x1, s12, s13, $0xb8;
	[tilespmem:$0x2080] =	vst v63  }
0x64: {  	_ =	swait.ge [sflag:s11], $0x400  }
0x65: {  	s17 =	smov.u32 s19;
	[sflag:s11] =	ssyncset.done $0x0  }
0x66: {  	s16 =	sadd.s32 s16, s9;
	[sflag:s11] =	ssyncadd.s32 $0xFFFFFC00  }
0x67: {  	[tilespmem:s12], [sflag:$0x1] =	stream.linear.gather [hbm4b:s16+s3], $0x400, $0x38;
	[tilespmem:$0x2080] =	vst v63  }
0x68: {  	_ =	swait.ge [sflag:s11], $0x400  }
0x69: {  	[sflag:s11] =	ssyncset.done $0x0  }
0x6a: {  	[sflag:s11] =	ssyncadd.s32 $0xFFFFFC00  }
0x6b: {  	[spmem:s2] =	stream.indirect.scatter.add.f32 [tilespmem:s14], [sflag:$0x1], $0x1, s12, s13, $0xb8;
	[tilespmem:$0x2080] =	vst v63  }
0x6c: {  	_ =	swait.ge [sflag:s11], $0x400  }
0x6d: {  	[sflag:s11] =	ssyncset.done $0x0  }
0x6e: {  	[sflag:s11] =	ssyncadd.s32 $0xFFFFFC00  }
0x6f: {  	[tilespmem:s12], [sflag:$0x1] =	stream.linear.gather [hbm4b:s6+s3], $0x350, $0x38;
	[tilespmem:$0x2080] =	vst v63  }
0x70: {  	_ =	swait.ge [sflag:s11], $0x350  }
0x71: {  	[sflag:s11] =	ssyncset.done $0x0  }
0x72: {  	[sflag:s11] =	ssyncadd.s32 $0xFFFFFCB0  }
0x73: {  	[tilespmem:$0x1BD0] =	vst v1  }
0x74: {  	[tilespmem:$0x1BE0] =	vst v1  }
0x75: {  	[tilespmem:$0x1BF0] =	vst v1  }
0x76: {  	[tilespmem:$0x1C00] =	vst v1  }
0x77: {  	[tilespmem:$0x1C10] =	vst v1  }
0x78: {  	[tilespmem:$0x1C20] =	vst v1  }
0x79: {  	[tilespmem:$0x1C30] =	vst v1  }
0x7a: {  	[tilespmem:$0x1C40] =	vst v1  }
0x7b: {  	[tilespmem:$0x1C50] =	vst v1  }
0x7c: {  	[tilespmem:$0x1C60] =	vst v1  }
0x7d: {  	[tilespmem:$0x1C70] =	vst v1  }
0x7e: {  	[spmem:s2] =	stream.indirect.scatter.add.f32 [tilespmem:s14], [sflag:$0x1], $0x1, s12, s13, $0xb8;
	[tilespmem:$0x2080] =	vst v63  }
0x7f: {  	_ =	swait.ge [sflag:s11], $0x400  }
0x80: {  	s15 =	sadd.s32 $0x1, s15;
	[sflag:s11] =	ssyncset.done $0x0  }
0x81: {  	p0 =	sne.s32 s15, s8;
	[sflag:s11] =	ssyncadd.s32 $0xFFFFFC00  }
.Ltmp1:
0x82: {  	[bflag:$0x0] =	sbarrier.arrive $0xFFFF;
	(pc) =	sbr.rel @p0 .LBB2_1-.Ltmp1, $4  }
0x83: {  	[hbm:s7], [sflag:s5] =	dma.local [spmem:s10], $0x310  }
0x84: {  	_ =	swait.ge [sflag:s11], $0x310  }
0x85: {  	[sflag:s11] =	ssyncset.done $0x0  }
0x86: {  	[sflag:s11] =	ssyncadd.s32 $0xFFFFFCF0  }
0x87: {  	_ =	sfence.sel $0x180000  }
0x88: {  	[bflag:$0x0] =	sbarrier.arrive $0xFFFF  }
0x89: {  	p0 =	sne.s32 s1, $0x0;
	_ =	strace $0x90000047  }
0x8a: {  	s0 =	sadd.s32 @!p0 $0x100000, s0;
	[bflag:$0x2] =	sbarrier.arrive $0xFFFF  }
0x8b: {  	[sflag:s0] =	ssyncadd.tile.s32 @!p0 $0x1;
	_ =	shalt  }
.Lfunc_end2:
_tile_overlayer_lowered:
.L_overlay_start_2:
0x8c: {  	(tag) =	ssettag $0x2  }
0x8d: {  	s0 =	rddreg [dreg:$0x0];
	s2 =	stileid.u32  }
0x8e: {  	s1 =	rddreg [dreg:$0x1];
	p0 =	sne.s32 s2, $0x0  }
0x8f: {  	s3 =	rddreg [dreg:$0x2];
	[bflag:$0x3] =	sbarrier.arrive $0xFFFF;
	s2 =	simm.s32 @!p0 $0x1C01  }
0x90: {  	[timem:s3], [sflag:s2] =	dma.local @!p0 [hbm:s0], s1  }
0x91: {  	s0 =	simm.s32 @!p0 $0x1  }
0x92: {  	_ =	swait.ge @!p0 [sflag:s0], s1  }
0x93: {  	s1 =	ssub.s32 @!p0 $0x0, s1;
	[sflag:s0] =	ssyncset.done @!p0 $0x0  }
0x94: {  	[sflag:s0] =	ssyncadd.s32 @!p0 s1  }
0x95: {  	[bflag:$0x3] =	sbarrier.arrive $0xFFFF  }
0x96: {  	_ =	shalt  }

// kernel: kernel.9.cloned.1.call-start
scs
__scs_entry_jumppad:
0x0: {  	(pc) =	sbr.rel $0x88, $3  }
0x1: {  	(tag) =	ssettag $0x0;
	lr =	simm.s32 $0x1  }
0x2: {  	[smem:$0x3F98] =	sst lr;
	_ =	strace $0xD0000000  }
0x3: {  	_ = 	snop  }
0x4: {  	_ = 	snop  }
0x5: {  	_ = 	snop  }
0x6: {  	_ = 	snop  }
0x7: {  	_ = 	snop  }
__scs_overlays_trampoline_lowered:
0x8: {  	[smem:$0x3FA7] =	sst s0  }
0x9: {  	[smem:$0x3FA8] =	sst s1  }
0xa: {  	[smem:$0x3FA9] =	sst s2  }
0xb: {  	[smem:$0x3FAA] =	sst s3  }
0xc: {  	[smem:$0x3FAB] =	sst s4  }
0xd: {  	[smem:$0x3FAC] =	sst s5  }
0xe: {  	[smem:$0x3FAD] =	sst s6  }
0xf: {  	[smem:$0x3FAE] =	sst s7  }
0x10: {  	[smem:$0x3FAF] =	sst s8  }
0x11: {  	[smem:$0x3FB0] =	sst s9;
	s0 =	simm.s32 @!p0 $0x0  }
0x12: {  	s1 =	sld [smem:$0x3F96];
	s0 =	simm.s32 @p0 $0x1  }
0x13: {  	[smem:$0x3FB1] =	sst s0;
	s0 =	simm.s32 @!p1 $0x0  }
0x14: {  	s2 =	sld [smem:$0x3F95];
	s0 =	simm.s32 @p1 $0x1  }
0x15: {  	[smem:$0x3FB2] =	sst s0;
	s0 =	simm.s32 @!p2 $0x0  }
0x16: {  	s3 =	sld [smem:$0x3FDB];
	s0 =	simm.s32 @p2 $0x1  }
0x17: {  	s4 =	simm.s32 $0x1BF5;
	[smem:$0x3FB4] =	sst s0  }
0x18: {  	s0 =	sld [smem:$0x3F97];
	_ =	swait.ge [sflag:s4], $0x0  }
0x19: {  	s7 =	sld [smem:$0x3F98]  }
0x1a: {  	s8 =	sadd.s32 $0xFFFFE003, lr  }
0x1b: {  	s9 =	sadd.s32 $0xFFFFFEF7, lr;
	s5 =	simm.s32 $0xFFFFFFFF;
	p2 =	slt.u32 s8, $0xFFFFF086  }
0x1c: {  	p1 =	slt.u32 s9, $0xF7A;
	s5 =	simm.s32 @!p2 $0x0  }
0x1d: {  	s5 =	simm.s32 @p1 $0x1;
	p0 =	seq.s32 s7, s2  }
0x1e: {  	s7 =	smul.u32 @!p0 $0xF7A, s2;
	p2 =	seq.s32 @!p0 s5, $0x0  }
0x1f: {  	s9 =	smul.u32 $0xF7A, s1;
	s8 =	simm.s32 @!p0 $0x1BF5;
	p2 =	por !p2, p0  }
0x20: {  	[sflag:s8] =	ssyncset.s32 @!p0 $0xFFFFF086;
	s6 =	sadd.s32 @!p0 s3, s7;
	s7 =	simm.s32 @!p0 $0x108  }
0x21: {  	s3 =	sadd.s32 s3, s9;
	s6 =	sadd.s32 @!p0 $0x88, s6;
	s7 =	simm.s32 @p2 $0x1082  }
0x22: {  	[simem:s7], [sflag:s8] =	dma.local @!p0 [hbm:s6], $0xF7A  }
0x23: {  	s9 =	sor.u32 $0xD0000000, s2;
	s6 =	simm.s32 $0x108;
	_ =	swait.ge @!p0 [sflag:s8], $0x0  }
0x24: {  	s3 =	sadd.s32 $0x88, s3;
	s6 =	simm.s32 @!p1 $0x1082;
	[sflag:s4] =	ssyncset.s32 $0xFFFFF086  }
0x25: {  	[simem:s6], [sflag:s4] =	dma.local [hbm:s3], $0xF7A  }
0x26: {  	[smem:$0x3F98] =	sst s1;
	(tag) =	ssettag s2;
	_ =	strace s9  }
0x27: {  	s1 =	sld [smem:$0x3FA8]  }
0x28: {  	s2 =	sld [smem:$0x3FA9]  }
0x29: {  	s4 =	sld [smem:$0x3FAB]  }
0x2a: {  	p0 =	seq.s32 s5, $0x0;
	s5 =	sld [smem:$0x3FAC]  }
0x2b: {  	s6 =	sld [smem:$0x3FAD]  }
0x2c: {  	s7 =	sld [smem:$0x3FAE]  }
0x2d: {  	s3 =	simm.s32 $0x108;
	s8 =	sld [smem:$0x3FAF]  }
0x2e: {  	s3 =	simm.s32 @!p0 $0x1082;
	s9 =	sld [smem:$0x3FB0]  }
0x2f: {  	lr =	sadd.s32 s0, s3;
	s0 =	sld [smem:$0x3FA7]  }
0x30: {  	s3 =	sld [smem:$0x3FAA]  }
0x31: {  	[smem:$0x3FB3] =	sst s10  }
0x32: {  	s10 =	sld [smem:$0x3FB1];
	_ =	sdelay $0x3  }
0x33: {  	p0 =	seq.s32 s10, $0x1;
	s10 =	sld [smem:$0x3FB3];
	_ =	sdelay $0x3  }
0x34: {  	[smem:$0x3FB3] =	sst s10  }
0x35: {  	s10 =	sld [smem:$0x3FB2];
	_ =	sdelay $0x3  }
0x36: {  	p1 =	seq.s32 s10, $0x1;
	s10 =	sld [smem:$0x3FB3];
	_ =	sdelay $0x3  }
0x37: {  	[smem:$0x3FB3] =	sst s10  }
0x38: {  	s10 =	sld [smem:$0x3FB4]  }
0x39: {  	_ = 	snop;
	(pc) =	sbr.ind lr, $3  }
0x3a: {  	_ = 	snop  }
0x3b: {  	_ = 	snop  }
0x3c: {  	p2 =	seq.s32 s10, $0x1;
	s10 =	sld [smem:$0x3FB3]  }
0x3d: {  	_ =	shalt  }
0x3e: {  	_ =	shalt  }
0x3f: {  	_ =	shalt  }
0x40: {  	_ =	shalt  }
0x41: {  	_ =	shalt  }
0x42: {  	_ =	shalt  }
0x43: {  	_ =	shalt  }
0x44: {  	_ =	shalt  }
0x45: {  	_ =	shalt  }
0x46: {  	_ =	shalt  }
0x47: {  	_ =	shalt  }
0x48: {  	_ =	shalt  }
0x49: {  	_ =	shalt  }
0x4a: {  	_ =	shalt  }
0x4b: {  	_ =	shalt  }
0x4c: {  	_ =	shalt  }
0x4d: {  	_ =	shalt  }
0x4e: {  	_ =	shalt  }
0x4f: {  	_ =	shalt  }
0x50: {  	_ =	shalt  }
0x51: {  	_ =	shalt  }
0x52: {  	_ =	shalt  }
0x53: {  	_ =	shalt  }
0x54: {  	_ =	shalt  }
0x55: {  	_ =	shalt  }
0x56: {  	_ =	shalt  }
0x57: {  	_ =	shalt  }
0x58: {  	_ =	shalt  }
0x59: {  	_ =	shalt  }
0x5a: {  	_ =	shalt  }
0x5b: {  	_ =	shalt  }
0x5c: {  	_ =	shalt  }
0x5d: {  	_ =	shalt  }
0x5e: {  	_ =	shalt  }
0x5f: {  	_ =	shalt  }
0x60: {  	_ =	shalt  }
0x61: {  	_ =	shalt  }
0x62: {  	_ =	shalt  }
0x63: {  	_ =	shalt  }
0x64: {  	_ =	shalt  }
0x65: {  	_ =	shalt  }
0x66: {  	_ =	shalt  }
0x67: {  	_ =	shalt  }
0x68: {  	_ =	shalt  }
0x69: {  	_ =	shalt  }
0x6a: {  	_ =	shalt  }
0x6b: {  	_ =	shalt  }
0x6c: {  	_ =	shalt  }
0x6d: {  	_ =	shalt  }
0x6e: {  	_ =	shalt  }
0x6f: {  	_ =	shalt  }
0x70: {  	_ =	shalt  }
0x71: {  	_ =	shalt  }
0x72: {  	_ =	shalt  }
0x73: {  	_ =	shalt  }
0x74: {  	_ =	shalt  }
0x75: {  	_ =	shalt  }
0x76: {  	_ =	shalt  }
0x77: {  	_ =	shalt  }
0x78: {  	_ =	shalt  }
0x79: {  	_ =	shalt  }
0x7a: {  	_ =	shalt  }
0x7b: {  	_ =	shalt  }
0x7c: {  	_ =	shalt  }
0x7d: {  	_ =	shalt  }
0x7e: {  	_ =	shalt  }
0x7f: {  	_ =	shalt  }
0x80: {  	_ =	shalt  }
0x81: {  	_ =	shalt  }
0x82: {  	_ =	shalt  }
0x83: {  	_ =	shalt  }
0x84: {  	_ =	shalt  }
0x85: {  	_ =	shalt  }
0x86: {  	_ =	shalt  }
0x87: {  	_ =	shalt  }
.Lfunc_end0:
.L_simem_size_0:
called_computation.1_lowered:
.L_overlay_start_0:
0x88: {  	s2 =	sld [smem:$0x3FD9]  }
0x89: {  	s3 =	sld [smem:$0x3FFE];
	_ =	sdelay $0x1  }
0x8a: {  	s1 =	srdreg.scid  }
0x8b: {  	s0 =	sand.u32 $0x1, s1  }
0x8c: {  	s16 =	sshll.u32 s0, $0xA;
	s2 =	sadd.s32 s3, s2  }
0x8d: {  	s2 =	sadd.s32 s2, s16  }
0x8e: {  	[smem:$0x3FBF] =	sst s2  }
0x8f: {  	_ = 	snop  }
0x90: {  	(tm) =	ssettm $0x1  }
0x91: {  	s17 =	sld [smem:$0x3FFB];
	_ =	sdelay $0x3  }
0x92: {  	_ =	strace s17  }
0x93: {  	s2 =	sld [smem:$0x3FFC];
	_ =	sdelay $0x3  }
0x94: {  	_ =	strace s2  }
0x95: {  	s2 =	sld [smem:$0x3FFD];
	_ =	sdelay $0x3  }
0x96: {  	_ =	strace s2  }
0x97: {  	_ =	strace $0x8FFFFFFF  }
0x98: {  	s18 =	sld [smem:$0x3FDB];
	_ =	sdelay $0x1  }
0x99: {  	s19 =	simm.s32 $_scs_section_size  }
0x9a: {  	s4 =	simm.s32 $_size__tile_overlayer_lowered;
	s5 =	simm.s32 $_tile_overlayer_lowered  }
0x9b: {  	s22 =	simm.s32 $0x1BFF;
	s21 =	sshll.u32 s5, $0x1;
	s2 =	sadd.s32 s19, s18  }
0x9c: {  	s6 =	simm.s32 $0x0;
	s20 =	sshll.u32 s4, $0x1;
	s4 =	sadd.s32 s21, s2  }
0x9d: {  	[timem:s6], [sflag:s22] =	dma.local [hbm:s4], s20  }
0x9e: {  	_ =	swait.ge [sflag:s22], s20  }
0x9f: {  	s3 =	ssub.s32 $0x0, s20;
	[sflag:s22] =	ssyncset.done $0x0  }
0xa0: {  	[sflag:s22] =	ssyncadd.s32 s3;
	_ =	sdelay $0x1  }
0xa1: {  	s23 =	simm.s32 $0x1B8B  }
0xa2: {  	_ =	swait.ge [sflag:s23], $0x1  }
0xa3: {  	[sflag:s23] =	ssyncset.done $0x0  }
0xa4: {  	s25 =	simm.s32 $0x1B8E;
	s24 =	sld [smem:$0x3FFE];
	[sflag:s23] =	ssyncadd.s32 $0xFFFFFFFF  }
0xa5: {  	s26 =	simm.s32 $execute0_lowered;
	[smem:$0x3FD2] =	sst s25  }
0xa6: {  	s4 =	sshll.u32 s26, $0x1;
	_ =	strace $0x80000049;
	[dreg:$0x1] =	wrdreg $0xFFFFFFFF  }
0xa7: {  	s28 =	simm.s32 $_size_execute0_lowered;
	s2 =	sadd.s32 s2, s4;
	[dreg:$0x0] =	wrdreg $0x0  }
0xa8: {  	s4 =	sshll.u32 s28, $0x1;
	[dreg:$0x2] =	wrdreg s2  }
0xa9: {  	[dreg:$0x3] =	wrdreg s4  }
0xaa: {  	[dreg:$0x4] =	wrdreg $0xC0  }
0xab: {  	_ =	task [dreg:s6], $0x5FFFF  }
0xac: {  	[dreg:$0x1] =	wrdreg $0xFFFFFFFF  }
0xad: {  	[dreg:$0x0] =	wrdreg $0x60  }
0xae: {  	[dreg:$0x2] =	wrdreg s24  }
0xaf: {  	[dreg:$0x3] =	wrdreg $0x0  }
0xb0: {  	[dreg:$0x4] =	wrdreg $0x9  }
0xb1: {  	_ =	task.clear_ibuf [dreg:s6], $0x5FFFF;
	_ =	strace $0x90000049  }
0xb2: {  	s29 =	simm.s32 $0x9;
	_ =	strace $0x8000004B  }
0xb3: {  	_ =	swait.ge [sflag:s29], $0x1  }
0xb4: {  	[sflag:s29] =	ssyncadd.s32 $0xFFFFFFFF  }
0xb5: {  	_ =	strace $0x9000004B  }
0xb6: {  	_ =	sfence  }
0xb7: {  	s30 =	sld [smem:$0x0];
	_ =	sdelay $0x2  }
0xb8: {  	s31 =	sshll.u32 s1, $0xD;
	s1 =	sshrl.u32 s1, $0x2  }
0xb9: {  	s3 =	sand.u32 $0x4000, s31;
	s1 =	sadd.s32 s1, s30  }
0xba: {  	s0 =	sor.u32 s3, s0;
	s1 =	sshll.u32 s1, $0x11  }
0xbb: {  	s0 =	sor.u32 s1, s0  }
0xbc: {  	s0 =	sadd.s32 $0x8F2B, s0  }
0xbd: {  	[sflag:s0] =	ssyncadd.remote.s32 $0x1  }
0xbe: {  	_ =	sfence.sel $0xFFFF  }
0xbf: {  	[dreg:$0x0] =	wrdreg $0xFFFFFFFF;
	(pc) =	sbr.abs _section_cstart, $3  }
0xc0: {  	[dreg:$0x1] =	wrdreg $0xFFFFFFFF  }
0xc1: {  	_ =	task.clear_ibuf [dreg:s6], $0x2FFFF;
	_ =	strace $0x9FFFFFFF  }
0xc2: {  	(tm) =	ssettm $0x7FFFFFFF  }
0xc3: {  	_ =	shalt  }
tec
execute0_lowered:
.L_overlay_start_1:
0x0: {  	(tag) =	ssettag $0x1  }
0x1: {  	s15 =	rddreg [dreg:$0x0]  }
0x2: {  	s1 =	rddreg [dreg:$0x1]  }
0x3: {  	s0 =	rddreg [dreg:$0x2];
	s3 =	simm.s32 $0x0;
	s2 =	stileid.u32  }
0x4: {  	s6 =	srdreg.scid;
	s21 =	simm.s32 $0x18AA8;
	s22 =	simm.s32 $0x400  }
0x5: {  	s24 =	simm.s32 $0x1;
	s25 =	simm.s32 $0x0;
	[smem:$0x7FF] =	sst s3  }
0x6: {  	s17 =	sadd.s32 $0x94E00, s15;
	s5 =	smul.u32 $0x18700, s2;
	s4 =	sadd.s32 $0x64000, s15  }
0x7: {  	s18 =	sadd.s32 $0x33200, s15;
	s23 =	sand.u32 $0x1, s6;
	s8 =	smul.u32 $0x186A0, s2  }
0x8: {  	s19 =	sadd.s32 $0x2400, s15;
	s12 =	sadd.s32 $0x155520, s15;
	s20 =	smul.u32 $0x30D4, s2  }
0x9: {  	_ =	strace $0x8000004A;
	s7 =	ssub.s32 $0x2, s23;
	p0 =	seq.s32 s23, $0x1  }
0xa: {  	p1 =	seq.s32 s23, $0x0;
	s14 =	smov.u32 s17;
	p4 =	sne.s32 s23, $0x0  }
0xb: {  	s23 =	simm.s32 $0x18EA8;
	s30 =	sshrl.u32 s5, $0x3;
	s31 =	sshrl.u32 s7, $0x1  }
0xc: {  	s5 =	sadd.s32 s5, s1;
	s8 =	sshrl.u32 s8, $0x3;
	s14 =	smov.u32 @p0 s4  }
0xd: {  	s4 =	smov.u32 @p1 s17;
	s17 =	sadd.s32 s20, s19;
	p0 =	seq.s32 s2, $0xF  }
0xe: {  	p2 =	seq.s32 @p4 s2, $0xF;
	p5 =	seq.s32 @!p4 s2, $0xF;
	s13 =	sadd.s32 s30, s15  }
0xf: {  	s16 =	ssub.s32 s7, s31;
	s7 =	sadd.s32 $0x16E900, s1;
	s10 =	sadd.s32 $0x3080, s8  }
0x10: {  	s8 =	sadd.s32 $0xF3920, s15;
	s15 =	sadd.s32 $0x124720, s15;
	p1 =	por !p2, !p4  }
0x11: {  	p2 =	por p2, !p4;
	p3 =	por !p5, p4;
	p4 =	por p5, p4  }
0x12: {  	s6 =	sadd.s32 $0xC5C00, s13;
	s9 =	sadd.s32 s18, s10;
	s10 =	sadd.s32 s19, s10  }
0x13: {  	s11 =	sadd.s32 $0x127800, s13;
	s13 =	sadd.s32 $0xF6A00, s13;
	s16 =	smax.u32 s16, $0x1  }
0x14: {  	v0 =	vimm.s32 $0x0;
	v1 =	vimm.s32 $0x186A0;
	s18 =	sadd.s32 s20, s18;
	s19 =	simm.s32 $0x186A8;
	s20 =	simm.s32 $0x2  }
.LBB2_1:
0x15: {  	s26 =	sshrl.u32 @p0 s7, $0x3;
	s28 =	simm.s32 @p0 $0x1FC2  }
0x16: {  	[spmem:s26], [sflag:s28] =	dma.local @p0 [hbm:s8], $0x3030  }
0x17: {  	s26 =	simm.s32 @p0 $0x2  }
0x18: {  	_ =	swait.ge @p0 [sflag:s26], $0x3030  }
0x19: {  	s28 =	sshll.u32 @!p0 s2, $0x6;
	[sflag:s26] =	ssyncset.done @p0 $0x0  }
0x1a: {  	[sflag:s26] =	ssyncadd.s32 @p0 $0xFFFFCFD0;
	s26 =	sor.u32 @!p0 $0x1C02, s28;
	s28 =	sshrl.u32 @!p0 s5, $0x3  }
0x1b: {  	[spmem:s28], [sflag:s26] =	dma.local @!p0 [hbm:s6], $0x30E0  }
0x1c: {  	s26 =	simm.s32 @!p0 $0x2  }
0x1d: {  	_ =	swait.ge @!p0 [sflag:s26], $0x30E0  }
0x1e: {  	[sflag:s26] =	ssyncset.done @!p0 $0x0  }
0x1f: {  	[sflag:s26] =	ssyncadd.s32 @!p0 $0xFFFFCF20  }
0x20: {  	s30 =	sadd.s32 $0x0, s18;
	[bflag:$0x0] =	sbarrier.arrive $0xFFFF  }
0x21: {  	[tilespmem:s19], [sflag:$0x2] =	stream.linear.gather [hbm4b:s30+s3], $0x400, $0x38;
	[tilespmem:$0x1CEA8] =	vst v63  }
0x22: {  	_ =	swait.ge [sflag:s20], $0x400  }
0x23: {  	[sflag:s20] =	ssyncset.done $0x0  }
0x24: {  	s31 =	sadd.s32 $0x0, s17;
	[sflag:s20] =	ssyncadd.s32 $0xFFFFFC00  }
0x25: {  	[tilespmem:s21], [sflag:$0x2] =	stream.linear.gather [hbm4b:s31+s3], $0x400, $0x38;
	[tilespmem:$0x1CEA8] =	vst v63  }
0x26: {  	_ =	swait.ge [sflag:s20], $0x400  }
0x27: {  	[sflag:s20] =	ssyncset.done $0x0  }
0x28: {  	[sflag:s20] =	ssyncadd.s32 $0xFFFFFC00  }
0x29: {  	[tilespmem:s23], [sflag:$0x1] =	stream.indirect.gather [hbm4b:s14+s22], $0x10, s19, s22, $0xb8;
	[tilespmem:$0x1CEA8] =	vst v63  }
0x2a: {  	_ =	swait.ge [sflag:s24], $0x4000  }
0x2b: {  	[sflag:s24] =	ssyncset.done $0x0  }
0x2c: {  	[sflag:s24] =	ssyncadd.s32 $0xFFFFC000  }
0x2d: {  	[spmem:s1] =	stream.indirect.scatter.add.f32 [tilespmem:s23], [sflag:$0x2], $0x10, s21, s22, $0xb8;
	[tilespmem:$0x1CEA8] =	vst v63  }
0x2e: {  	_ =	swait.ge [sflag:s20], $0x4000  }
0x2f: {  	s28 =	simm.s32 $0x100;
	s26 =	simm.s32 $0x80;
	[sflag:s20] =	ssyncset.done $0x0  }
.LBB2_2:
0x30: {  	s29 =	sadd.s32 s26, s18  }
0x31: {  	[sflag:s20] =	ssyncadd.s32 $0xFFFFC000;
	s30 =	smov.u32 s28;
	s31 =	sadd.s32 $0x80, s28  }
0x32: {  	[tilespmem:s19], [sflag:$0x2] =	stream.linear.gather [hbm4b:s29+s3], $0x400, $0x38;
	[tilespmem:$0x1CEA8] =	vst v63  }
0x33: {  	p5 =	sne.s32 s28, $0x3000;
	_ =	swait.ge [sflag:s20], $0x400  }
0x34: {  	[sflag:s20] =	ssyncset.done $0x0  }
0x35: {  	s28 =	sadd.s32 s26, s17;
	s26 =	smov.u32 s30;
	[sflag:s20] =	ssyncadd.s32 $0xFFFFFC00  }
0x36: {  	[tilespmem:s21], [sflag:$0x2] =	stream.linear.gather [hbm4b:s28+s3], $0x400, $0x38;
	[tilespmem:$0x1CEA8] =	vst v63  }
0x37: {  	_ =	swait.ge [sflag:s20], $0x400  }
0x38: {  	[sflag:s20] =	ssyncset.done $0x0  }
0x39: {  	[sflag:s20] =	ssyncadd.s32 $0xFFFFFC00  }
0x3a: {  	[tilespmem:s23], [sflag:$0x1] =	stream.indirect.gather [hbm4b:s14+s22], $0x10, s19, s22, $0xb8;
	[tilespmem:$0x1CEA8] =	vst v63  }
0x3b: {  	_ =	swait.ge [sflag:s24], $0x4000  }
.Ltmp0:
0x3c: {  	[sflag:s24] =	ssyncset.done $0x0;
	(pc) =	sbr.rel @p5 .LBB2_2-.Ltmp0, $4  }
0x3d: {  	[sflag:s24] =	ssyncadd.s32 $0xFFFFC000  }
0x3e: {  	[spmem:s1] =	stream.indirect.scatter.add.f32 [tilespmem:s23], [sflag:$0x2], $0x10, s21, s22, $0xb8;
	[tilespmem:$0x1CEA8] =	vst v63  }
0x3f: {  	_ =	swait.ge [sflag:s20], $0x4000  }
0x40: {  	s28 =	smov.u32 s31;
	[sflag:s20] =	ssyncset.done $0x0  }
0x41: {  	s28 =	sadd.s32 s26, s18;
	[sflag:s20] =	ssyncadd.s32 $0xFFFFC000  }
0x42: {  	[tilespmem:s19], [sflag:$0x2] =	stream.linear.gather [hbm4b:s28+s3], $0x400, $0x38;
	[tilespmem:$0x1CEA8] =	vst v63  }
0x43: {  	_ =	swait.ge [sflag:s20], $0x400  }
0x44: {  	[sflag:s20] =	ssyncset.done $0x0  }
0x45: {  	s31 =	sadd.s32 s26, s17;
	[sflag:s20] =	ssyncadd.s32 $0xFFFFFC00  }
0x46: {  	[tilespmem:s21], [sflag:$0x2] =	stream.linear.gather [hbm4b:s31+s3], $0x400, $0x38;
	[tilespmem:$0x1CEA8] =	vst v63  }
0x47: {  	_ =	swait.ge [sflag:s20], $0x400  }
0x48: {  	[sflag:s20] =	ssyncset.done $0x0  }
0x49: {  	[sflag:s20] =	ssyncadd.s32 $0xFFFFFC00  }
0x4a: {  	[tilespmem:s23], [sflag:$0x1] =	stream.indirect.gather [hbm4b:s14+s22], $0x10, s19, s22, $0xb8;
	[tilespmem:$0x1CEA8] =	vst v63  }
0x4b: {  	_ =	swait.ge [sflag:s24], $0x4000  }
0x4c: {  	[sflag:s24] =	ssyncset.done $0x0  }
0x4d: {  	[sflag:s24] =	ssyncadd.s32 $0xFFFFC000  }
0x4e: {  	[spmem:s1] =	stream.indirect.scatter.add.f32 [tilespmem:s23], [sflag:$0x2], $0x10, s21, s22, $0xb8;
	[tilespmem:$0x1CEA8] =	vst v63  }
0x4f: {  	_ =	swait.ge [sflag:s20], $0x4000  }
0x50: {  	[sflag:s20] =	ssyncset.done $0x0  }
0x51: {  	[sflag:s20] =	ssyncadd.s32 $0xFFFFC000  }
0x52: {  	[tilespmem:s19], [sflag:$0x2] =	stream.linear.gather [hbm4b:s9+s3], $0x2A0, $0x38;
	[tilespmem:$0x1CEA8] =	vst v63  }
0x53: {  	_ =	swait.ge [sflag:s20], $0x2A0  }
0x54: {  	[sflag:s20] =	ssyncset.done $0x0  }
0x55: {  	[sflag:s20] =	ssyncadd.s32 $0xFFFFFD60  }
0x56: {  	[tilespmem:s21], [sflag:$0x2] =	stream.linear.gather [hbm4b:s10+s3], $0x2A0, $0x38;
	[tilespmem:$0x1CEA8] =	vst v63  }
0x57: {  	_ =	swait.ge [sflag:s20], $0x2A0  }
0x58: {  	[sflag:s20] =	ssyncset.done $0x0  }
0x59: {  	[sflag:s20] =	ssyncadd.s32 $0xFFFFFD60  }
0x5a: {  	[tilespmem:$0x18948] =	vst v0  }
0x5b: {  	[tilespmem:$0x18D48] =	vst v1  }
0x5c: {  	[tilespmem:$0x18958] =	vst v0  }
0x5d: {  	[tilespmem:$0x18D58] =	vst v1  }
0x5e: {  	[tilespmem:$0x18968] =	vst v0  }
0x5f: {  	[tilespmem:$0x18D68] =	vst v1  }
0x60: {  	[tilespmem:$0x18978] =	vst v0  }
0x61: {  	[tilespmem:$0x18D78] =	vst v1  }
0x62: {  	[tilespmem:$0x18988] =	vst v0  }
0x63: {  	[tilespmem:$0x18D88] =	vst v1  }
0x64: {  	[tilespmem:$0x18998] =	vst v0  }
0x65: {  	[tilespmem:$0x18D98] =	vst v1  }
0x66: {  	[tilespmem:$0x189A8] =	vst v0  }
0x67: {  	[tilespmem:$0x18DA8] =	vst v1  }
0x68: {  	[tilespmem:$0x189B8] =	vst v0  }
0x69: {  	[tilespmem:$0x18DB8] =	vst v1  }
0x6a: {  	[tilespmem:$0x189C8] =	vst v0  }
0x6b: {  	[tilespmem:$0x18DC8] =	vst v1  }
0x6c: {  	[tilespmem:$0x189D8] =	vst v0  }
0x6d: {  	[tilespmem:$0x18DD8] =	vst v1  }
0x6e: {  	[tilespmem:$0x189E8] =	vst v0  }
0x6f: {  	[tilespmem:$0x18DE8] =	vst v1  }
0x70: {  	[tilespmem:$0x189F8] =	vst v0  }
0x71: {  	[tilespmem:$0x18DF8] =	vst v1  }
0x72: {  	[tilespmem:$0x18A08] =	vst v0  }
0x73: {  	[tilespmem:$0x18E08] =	vst v1  }
0x74: {  	[tilespmem:$0x18A18] =	vst v0  }
0x75: {  	[tilespmem:$0x18E18] =	vst v1  }
0x76: {  	[tilespmem:$0x18A28] =	vst v0  }
0x77: {  	[tilespmem:$0x18E28] =	vst v1  }
0x78: {  	[tilespmem:$0x18A38] =	vst v0  }
0x79: {  	[tilespmem:$0x18E38] =	vst v1  }
0x7a: {  	[tilespmem:$0x18A48] =	vst v0  }
0x7b: {  	[tilespmem:$0x18E48] =	vst v1  }
0x7c: {  	[tilespmem:$0x18A58] =	vst v0  }
0x7d: {  	[tilespmem:$0x18E58] =	vst v1  }
0x7e: {  	[tilespmem:$0x18A68] =	vst v0  }
0x7f: {  	[tilespmem:$0x18E68] =	vst v1  }
0x80: {  	[tilespmem:$0x18A78] =	vst v0  }
0x81: {  	[tilespmem:$0x18E78] =	vst v1  }
0x82: {  	[tilespmem:$0x18A88] =	vst v0  }
0x83: {  	[tilespmem:$0x18E88] =	vst v1  }
0x84: {  	[tilespmem:$0x18A98] =	vst v0  }
0x85: {  	[tilespmem:$0x18E98] =	vst v1  }
0x86: {  	[tilespmem:s23], [sflag:$0x1] =	stream.indirect.gather [hbm4b:s4+s22], $0x10, s19, s22, $0xb8;
	[tilespmem:$0x1CEA8] =	vst v63  }
0x87: {  	_ =	swait.ge [sflag:s24], $0x4000  }
0x88: {  	[sflag:s24] =	ssyncset.done $0x0  }
0x89: {  	[sflag:s24] =	ssyncadd.s32 $0xFFFFC000  }
0x8a: {  	[spmem:s1] =	stream.indirect.scatter.add.f32 [tilespmem:s23], [sflag:$0x2], $0x10, s21, s22, $0xb8;
	[tilespmem:$0x1CEA8] =	vst v63  }
0x8b: {  	_ =	swait.ge [sflag:s20], $0x4000  }
0x8c: {  	[sflag:s20] =	ssyncset.done $0x0  }
0x8d: {  	[sflag:s20] =	ssyncadd.s32 $0xFFFFC000  }
0x8e: {  	s26 =	sshrl.u32 @!p1 s7, $0x3;
	s28 =	simm.s32 @!p1 $0x1FC2;
	[bflag:$0x0] =	sbarrier.arrive $0xFFFF  }
0x8f: {  	[hbm:s12], [sflag:s28] =	dma.local @!p1 [spmem:s26], $0x3020  }
0x90: {  	s26 =	simm.s32 @!p1 $0x2  }
0x91: {  	_ =	swait.ge @!p1 [sflag:s26], $0x3020  }
0x92: {  	s28 =	sshll.u32 @!p2 s2, $0x6;
	[sflag:s26] =	ssyncset.done @!p1 $0x0  }
0x93: {  	[sflag:s26] =	ssyncadd.s32 @!p1 $0xFFFFCFE0;
	s26 =	sor.u32 @!p2 $0x1C02, s28;
	s28 =	sshrl.u32 @!p2 s5, $0x3  }
0x94: {  	[hbm:s11], [sflag:s26] =	dma.local @!p2 [spmem:s28], $0x30E0  }
0x95: {  	s26 =	simm.s32 @!p2 $0x2  }
0x96: {  	_ =	swait.ge @!p2 [sflag:s26], $0x30E0  }
0x97: {  	[sflag:s26] =	ssyncset.done @!p2 $0x0  }
0x98: {  	s28 =	simm.s32 @!p3 $0x1FC2;
	[sflag:s26] =	ssyncadd.s32 @!p2 $0xFFFFCF20;
	s26 =	sshrl.u32 @!p3 s7, $0x3  }
0x99: {  	[hbm:s15], [sflag:s28] =	dma.local @!p3 [spmem:s26], $0x3020  }
0x9a: {  	s26 =	simm.s32 @!p3 $0x2  }
0x9b: {  	s25 =	sadd.s32 $0x1, s25;
	_ =	swait.ge @!p3 [sflag:s26], $0x3020  }
0x9c: {  	p5 =	sne.s32 s25, s16;
	s28 =	sshll.u32 @!p4 s2, $0x6;
	[sflag:s26] =	ssyncset.done @!p3 $0x0  }
0x9d: {  	[sflag:s26] =	ssyncadd.s32 @!p3 $0xFFFFCFE0;
	s26 =	sor.u32 @!p4 $0x1C02, s28;
	s28 =	sshrl.u32 @!p4 s5, $0x3  }
0x9e: {  	[hbm:s13], [sflag:s26] =	dma.local @!p4 [spmem:s28], $0x30E0  }
.Ltmp1:
0x9f: {  	_ = 	snop;
	(pc) =	sbr.rel @p5 .LBB2_1-.Ltmp1, $4  }
0xa0: {  	s26 =	simm.s32 @!p4 $0x2  }
0xa1: {  	_ =	swait.ge @!p4 [sflag:s26], $0x30E0  }
0xa2: {  	[sflag:s26] =	ssyncset.done @!p4 $0x0  }
0xa3: {  	[sflag:s26] =	ssyncadd.s32 @!p4 $0xFFFFCF20  }
0xa4: {  	_ =	sfence.sel $0x180000  }
0xa5: {  	[bflag:$0x0] =	sbarrier.arrive $0xFFFF  }
0xa6: {  	p0 =	sne.s32 s2, $0x0;
	_ =	strace $0x9000004A  }
0xa7: {  	s0 =	sadd.s32 @!p0 $0x100000, s0;
	[bflag:$0x2] =	sbarrier.arrive $0xFFFF  }
0xa8: {  	[sflag:s0] =	ssyncadd.tile.s32 @!p0 $0x1;
	_ =	shalt  }
.Lfunc_end2:
_tile_overlayer_lowered:
.L_overlay_start_2:
0xa9: {  	(tag) =	ssettag $0x2  }
0xaa: {  	s0 =	rddreg [dreg:$0x0];
	s2 =	stileid.u32  }
0xab: {  	s1 =	rddreg [dreg:$0x1];
	p0 =	sne.s32 s2, $0x0  }
0xac: {  	s3 =	rddreg [dreg:$0x2];
	[bflag:$0x3] =	sbarrier.arrive $0xFFFF;
	s2 =	simm.s32 @!p0 $0x1C02  }
0xad: {  	[timem:s3], [sflag:s2] =	dma.local @!p0 [hbm:s0], s1  }
0xae: {  	s0 =	simm.s32 @!p0 $0x2  }
0xaf: {  	_ =	swait.ge @!p0 [sflag:s0], s1  }
0xb0: {  	s1 =	ssub.s32 @!p0 $0x0, s1;
	[sflag:s0] =	ssyncset.done @!p0 $0x0  }
0xb1: {  	[sflag:s0] =	ssyncadd.s32 @!p0 s1  }
0xb2: {  	[bflag:$0x3] =	sbarrier.arrive $0xFFFF  }
0xb3: {  	_ =	shalt  }

</sc_bundles>
